<compile_context>
chip_gen: v7x
topology: tpu7x:2x2x1
jax: 0.10.2.dev20260603
libtpu: 0.0.44.dev20260713+nightly
codegen_flags: <defaults>
</compile_context>

<pallas_src>
import functools

import jax
import jax.numpy as jnp
from jax import lax
from jax.experimental import pallas as pl
from jax.experimental.pallas import tpu as pltpu
from jax.experimental.pallas import tpu_sc as plsc

N = 10000
NP = 10240
F = 128
E = 320000

NC = 2
NS = 16
NW = NC * NS
L = 16

CHUNK = 128
EPAD = 327680
EPW = EPAD // NW

NSL = 64
KSL = 40
ESL = KSL * CHUNK
MAXSL = 3

_mesh = plsc.VectorSubcoreMesh(core_axis_name="c", subcore_axis_name="s")
_sc_params = pltpu.CompilerParams(needs_layout_passes=False)


@functools.partial(
    pl.kernel,
    out_type=jax.ShapeDtypeStruct((NW, NP), jnp.float32),
    mesh=_mesh,
    compiler_params=_sc_params,
    scratch_types=[
        pltpu.VMEM((EPW,), jnp.int32),
        pltpu.VMEM((NP,), jnp.float32),
    ],
)
def _sc_degree(dst_hbm, out_hbm, dst_v, acc_v):
    wid = lax.axis_index("c") * NS + lax.axis_index("s")
    pltpu.sync_copy(dst_hbm.at[wid], dst_v)

    def zero(i, _):
        acc_v[pl.ds(pl.multiple_of(i * L, L), L)] = jnp.zeros((L,), jnp.float32)
        return _

    lax.fori_loop(0, NP // L, zero, 0)

    ones = jnp.full((L,), 1.0, jnp.float32)

    def body(i, _):
        idx = dst_v[pl.ds(pl.multiple_of(i * L, L), L)]
        plsc.addupdate_scatter(acc_v, [idx], ones)
        return _

    lax.fori_loop(0, EPW // L, body, 0)
    pltpu.sync_copy(acc_v, out_hbm.at[wid])


@functools.partial(
    pl.kernel,
    out_type=jax.ShapeDtypeStruct((NC, NP, F), jnp.float32),
    mesh=_mesh,
    compiler_params=_sc_params,
    scratch_types=[
        pltpu.VMEM((KSL, CHUNK), jnp.int32),
        pltpu.VMEM((KSL, CHUNK), jnp.int32),
        pltpu.VMEM((CHUNK, F), jnp.float32),
        pltpu.VMEM_SHARED((NP, F), jnp.float32),
        pltpu.SemaphoreType.DMA,
    ],
)
def _sc_agg_rows(hs_hbm, src_hbm, dst_hbm, zeros_hbm, out_hbm,
                 src_v, dst_v, rows_v, acc_sh, sem):
    c = lax.axis_index("c")
    s = lax.axis_index("s")

    rows_per_tile = NP // NS
    pltpu.sync_copy(zeros_hbm.at[pl.ds(s * rows_per_tile, rows_per_tile)],
                    acc_sh.at[pl.ds(s * rows_per_tile, rows_per_tile)])
    plsc.subcore_barrier()

    def do_slice(sl):
        pltpu.sync_copy(src_hbm.at[sl], src_v)
        pltpu.sync_copy(dst_hbm.at[sl], dst_v)

        def body(j, _):
            pltpu.async_copy(hs_hbm.at[src_v.at[j]], rows_v, sem).wait()
            pltpu.sync_copy(rows_v, acc_sh.at[dst_v.at[j]], add=True)
            return _

        lax.fori_loop(0, KSL, body, 0)

    for i in range(MAXSL):
        sl = jnp.where(c == 1, s, NS + MAXSL * s + i)
        active = jnp.logical_or(c == 0, i == 0)

        @pl.when(active)
        def _do():
            do_slice(sl)

    plsc.subcore_barrier()
    pltpu.sync_copy(acc_sh.at[pl.ds(s * rows_per_tile, rows_per_tile)],
                    out_hbm.at[c, pl.ds(s * rows_per_tile, rows_per_tile)])


@functools.partial(
    pl.kernel,
    out_type=jax.ShapeDtypeStruct((NW, NP), jnp.float32),
    mesh=_mesh,
    compiler_params=_sc_params,
    scratch_types=[
        pltpu.VMEM((EPW,), jnp.int32),
        pltpu.VMEM((EPW,), jnp.int32),
        pltpu.VMEM((NP,), jnp.float32),
        pltpu.VMEM((NP,), jnp.float32),
    ],
)
def _sc_agg_scalar(src_hbm, dst_hbm, zs_hbm, out_hbm, src_v, dst_v, zs_v, acc_v):
    wid = lax.axis_index("c") * NS + lax.axis_index("s")
    pltpu.sync_copy(src_hbm.at[wid], src_v)
    pltpu.sync_copy(dst_hbm.at[wid], dst_v)
    pltpu.sync_copy(zs_hbm, zs_v)

    def zero(i, _):
        acc_v[pl.ds(pl.multiple_of(i * L, L), L)] = jnp.zeros((L,), jnp.float32)
        return _

    lax.fori_loop(0, NP // L, zero, 0)

    def body(i, _):
        off = pl.multiple_of(i * L, L)
        sidx = src_v[pl.ds(off, L)]
        didx = dst_v[pl.ds(off, L)]
        vals = plsc.load_gather(zs_v, [sidx])
        plsc.addupdate_scatter(acc_v, [didx], vals)
        return _

    lax.fori_loop(0, EPW // L, body, 0)
    pltpu.sync_copy(acc_v, out_hbm.at[wid])


R = 2048


def _tc1_body(part_ref, x_ref, w1_ref, hs_ref, dis_ref):
    ones = jnp.ones((NW, 1), jnp.float32)
    deg = lax.dot_general(part_ref[...], ones, (((0,), (0,)), ((), ())),
                          preferred_element_type=jnp.float32,
                          precision=lax.Precision.HIGHEST)
    dis = jnp.where(deg > 0.0, lax.rsqrt(deg), 0.0)
    h = jnp.dot(x_ref[...], w1_ref[...], preferred_element_type=jnp.float32,
                precision=lax.Precision.HIGHEST)
    hs_ref[...] = h * dis
    dis_ref[...] = dis


def _tc2_body(a0_ref, a1_ref, hs_ref, dis_ref, b1_ref, w2_ref, zs_ref):
    dis = dis_ref[...]
    h1 = dis * (a0_ref[...] + a1_ref[...] + hs_ref[...]) + b1_ref[...]
    h1 = jnp.maximum(h1, 0.0)
    z = jnp.dot(h1, w2_ref[...], preferred_element_type=jnp.float32,
                precision=lax.Precision.HIGHEST)
    zs_ref[...] = z * dis


def _tc3_body(part_ref, zs_ref, dis_ref, b2_ref, out_ref):
    ones = jnp.ones((NW, 1), jnp.float32)
    acc = lax.dot_general(part_ref[...], ones, (((0,), (0,)), ((), ())),
                          preferred_element_type=jnp.float32,
                          precision=lax.Precision.HIGHEST)
    pre = dis_ref[...] * (acc + zs_ref[...]) + b2_ref[...]
    out_ref[...] = 1.0 / (1.0 + jnp.exp(-pre))


def _tc1(partials, x_pad, W1):
    return pl.pallas_call(
        _tc1_body,
        grid=(NP // R,),
        in_specs=[
            pl.BlockSpec((NW, R), lambda i: (0, i)),
            pl.BlockSpec((R, F), lambda i: (i, 0)),
            pl.BlockSpec((F, F), lambda i: (0, 0)),
        ],
        out_specs=[
            pl.BlockSpec((R, F), lambda i: (i, 0)),
            pl.BlockSpec((R, 1), lambda i: (i, 0)),
        ],
        out_shape=[
            jax.ShapeDtypeStruct((NP, F), jnp.float32),
            jax.ShapeDtypeStruct((NP, 1), jnp.float32),
        ],
    )(partials, x_pad, W1)


def _tc2(a0, a1, hs, dis, b1r, W2):
    return pl.pallas_call(
        _tc2_body,
        grid=(NP // R,),
        in_specs=[
            pl.BlockSpec((R, F), lambda i: (i, 0)),
            pl.BlockSpec((R, F), lambda i: (i, 0)),
            pl.BlockSpec((R, F), lambda i: (i, 0)),
            pl.BlockSpec((R, 1), lambda i: (i, 0)),
            pl.BlockSpec((1, F), lambda i: (0, 0)),
            pl.BlockSpec((F, 1), lambda i: (0, 0)),
        ],
        out_specs=pl.BlockSpec((R, 1), lambda i: (i, 0)),
        out_shape=jax.ShapeDtypeStruct((NP, 1), jnp.float32),
    )(a0, a1, hs, dis, b1r, W2)


def _tc3(partials, zs, dis, b2r):
    return pl.pallas_call(
        _tc3_body,
        grid=(NP // R,),
        in_specs=[
            pl.BlockSpec((NW, R), lambda i: (0, i)),
            pl.BlockSpec((R, 1), lambda i: (i, 0)),
            pl.BlockSpec((R, 1), lambda i: (i, 0)),
            pl.BlockSpec((1, 1), lambda i: (0, 0)),
        ],
        out_specs=pl.BlockSpec((R, 1), lambda i: (i, 0)),
        out_shape=jax.ShapeDtypeStruct((NP, 1), jnp.float32),
    )(partials, zs, dis, b2r)


@jax.jit
def kernel(x, edge_index, W1, b1, W2, b2):
    src = edge_index[0].astype(jnp.int32)
    dst = edge_index[1].astype(jnp.int32)
    pad = jnp.full((EPAD - E,), N, jnp.int32)
    src_p = jnp.concatenate([src, pad]).reshape(NW, EPW)
    dst_p = jnp.concatenate([dst, pad]).reshape(NW, EPW)
    src3 = src_p.reshape(NSL, KSL, CHUNK)
    dst3 = dst_p.reshape(NSL, KSL, CHUNK)

    x_pad = jnp.zeros((NP, F), x.dtype).at[:N].set(x)
    zeros_rows = jnp.zeros((NP, F), jnp.float32)

    deg_part = _sc_degree(dst_p)
    hs, dis = _tc1(deg_part, x_pad, W1)
    pacc = _sc_agg_rows(hs, src3, dst3, zeros_rows)
    zs = _tc2(pacc[0], pacc[1], hs, dis,
              b1.reshape(1, F), W2)
    pacc2 = _sc_agg_scalar(src_p, dst_p, zs.reshape(NP))
    out = _tc3(pacc2, zs, dis, b2.reshape(1, 1))
    return out[:N]

# --- scband reference (transcript-rebuilt; emitter-appended) ---
"""Pipeline reference for scband-gcn-64304250356313 (READ-ONLY COPY).

The authoritative reference and input builder live on the scoring server;
editing this copy changes nothing except your own understanding.
"""

import jax, jax.numpy as jnp
import numpy as np

N_NODES = 10000


def gcn_conv(x, edge_index, W, b):
    N = x.shape[0]
    src = edge_index[0]
    dst = edge_index[1]
    # add self loops (PyG GCNConv default add_self_loops=True)
    loop = jnp.arange(N, dtype=edge_index.dtype)
    src = jnp.concatenate([src, loop])
    dst = jnp.concatenate([dst, loop])
    # symmetric normalization (gcn_norm), edge_weight = 1
    deg = jnp.zeros((N,), dtype=x.dtype).at[dst].add(1.0)
    deg_inv_sqrt = jnp.where(deg > 0, deg ** -0.5, 0.0)
    norm = deg_inv_sqrt[src] * deg_inv_sqrt[dst]
    # linear transform then propagate
    h = x @ W
    msg = h[src] * norm[:, None]
    out = jnp.zeros((N, W.shape[1]), dtype=x.dtype).at[dst].add(msg)
    return out + b


def setup_inputs(seed: int = 0) -> dict:
    key = jax.random.key(seed)
    k_x, k_e, k_w1, k_b1, k_w2, k_b2 = jax.random.split(key, 6)
    in_channels = 128
    hidden_channels = 128
    x = jax.random.normal(k_x, (N_NODES, in_channels), dtype=jnp.float32)
    edge_index = jax.random.randint(k_e, (2, 320000), 0, N_NODES, dtype=jnp.int64)
    # glorot-style init like PyG GCNConv linear (no bias in Linear; conv has bias)
    s1 = (6.0 / (in_channels + hidden_channels)) ** 0.5
    W1 = jax.random.uniform(k_w1, (in_channels, hidden_channels), minval=-s1, maxval=s1, dtype=jnp.float32)
    b1 = jnp.zeros((hidden_channels,), dtype=jnp.float32)
    s2 = (6.0 / (hidden_channels + 1)) ** 0.5
    W2 = jax.random.uniform(k_w2, (hidden_channels, 1), minval=-s2, maxval=s2, dtype=jnp.float32)
    b2 = jnp.zeros((1,), dtype=jnp.float32)
    return {"x": x, "edge_index": edge_index, "W1": W1, "b1": b1, "W2": W2, "b2": b2}


def reference(x, edge_index, W1, b1, W2, b2):
    h = gcn_conv(x, edge_index, W1, b1)
    h = jax.nn.relu(h)
    h = gcn_conv(h, edge_index, W2, b2)
    return jax.nn.sigmoid(h)

if __name__ == "__main__":
    import jax
    _d = setup_inputs()
    print(jax.jit(kernel)(*tuple(_d.values())))

</pallas_src>

<mosaic_0001>
#map = affine_map<(d0, d1) -> (0, 0)>
#map1 = affine_map<(d0, d1) -> (0, 0, 0)>
module attributes {stable_mosaic.version = 14 : i64} {
  func.func @_sc_agg_rows(%arg0: i32, %arg1: i32, %arg2: memref<10240x128xf32, #tpu.memory_space<hbm>>, %arg3: memref<64x40x128xi32, #tpu.memory_space<hbm>>, %arg4: memref<64x40x128xi32, #tpu.memory_space<hbm>>, %arg5: memref<10240x128xf32, #tpu.memory_space<hbm>>, %arg6: memref<2x10240x128xf32, #tpu.memory_space<hbm>>, %arg7: memref<40x128xi32, #tpu.memory_space<vmem>>, %arg8: memref<40x128xi32, #tpu.memory_space<vmem>>, %arg9: memref<128x128xf32, #tpu.memory_space<vmem>>, %arg10: memref<10240x128xf32, #tpu.memory_space<vmem_shared>>, %arg11: memref<!tpu.dma_semaphore, #tpu.memory_space<semaphore_mem>>) attributes {dimension_semantics = [#tpu.dimension_semantics<core_parallel>, #tpu.dimension_semantics<subcore_parallel>], iteration_bounds = array<i64: 2, 16>, scalar_prefetch = 0 : i64, scratch_operands = 5 : i64, tpu.core_type = #tpu.core_type<sc_vector_subcore>, window_params = [{transform_indices = #map}, {transform_indices = #map1}, {transform_indices = #map1}, {transform_indices = #map}, {transform_indices = #map1}]} {
    %mul3A = arith.constant 640 : i32
    %mul3A_0 = arith.muli %arg1, %mul3A : i32
    %mul3A_1 = arith.constant 640 : i32
    %mul3A_2 = arith.muli %arg1, %mul3A_1 : i32
    "tpu.region"() ({
      %run_scoped3A = tpu.sem_alloc : memref<!tpu.dma_semaphore, #tpu.memory_space<semaphore_mem>>
      %dma_start3A = arith.constant 0 : i32
      %dma_start3A_50 = tpu.memref_slice %arg10[%mul3A_2, %dma_start3A] : memref<10240x128xf32, #tpu.memory_space<vmem_shared>> -> memref<640x128xf32, #tpu.memory_space<vmem_shared>>
      %dma_start3A_51 = arith.constant 0 : i32
      %dma_start3A_52 = tpu.memref_slice %arg5[%mul3A_0, %dma_start3A_51] : memref<10240x128xf32, #tpu.memory_space<hbm>> -> memref<640x128xf32, #tpu.memory_space<hbm>>
      tpu.enqueue_dma source(%dma_start3A_52 : memref<640x128xf32, #tpu.memory_space<hbm>>) target(%dma_start3A_50 : memref<640x128xf32, #tpu.memory_space<vmem_shared>>) target_semaphore(%run_scoped3A : memref<!tpu.dma_semaphore, #tpu.memory_space<semaphore_mem>>)
      %dma_wait3A = arith.constant 0 : i32
      %dma_wait3A_53 = tpu.memref_slice %arg10[%mul3A_2, %dma_wait3A] : memref<10240x128xf32, #tpu.memory_space<vmem_shared>> -> memref<640x128xf32, #tpu.memory_space<vmem_shared>>
      %dma_wait3A_54 = arith.constant 0 : i32
      %dma_wait3A_55 = tpu.memref_slice %arg5[%mul3A_0, %dma_wait3A_54] : memref<10240x128xf32, #tpu.memory_space<hbm>> -> memref<640x128xf32, #tpu.memory_space<hbm>>
      tpu.wait_dma2 semaphore(%run_scoped3A : memref<!tpu.dma_semaphore, #tpu.memory_space<semaphore_mem>>) src(%dma_wait3A_55 : memref<640x128xf32, #tpu.memory_space<hbm>>) dst(%dma_wait3A_53 : memref<640x128xf32, #tpu.memory_space<vmem_shared>>)
      tpu.yield
    }) : () -> ()
    %barrier3A = arith.constant 0 : index
    tpu.barrier barrier_id(%barrier3A)
    %eq3A = arith.constant 1 : i32
    %eq3A_3 = arith.cmpi eq, %arg0, %eq3A : i32
    %mul3A_4 = arith.constant 3 : i32
    %mul3A_5 = arith.muli %mul3A_4, %arg1 : i32
    %add3A = arith.constant 16 : i32
    %add3A_6 = arith.addi %add3A, %mul3A_5 : i32
    %add3A_7 = arith.constant 0 : i32
    %add3A_8 = arith.addi %add3A_6, %add3A_7 : i32
    %select_n3A = arith.select %eq3A_3, %arg1, %add3A_8 : i32
    %eq3A_9 = arith.constant 0 : i32
    %eq3A_10 = arith.cmpi eq, %arg0, %eq3A_9 : i32
    %or3A = arith.constant true
    %or3A_11 = arith.ori %eq3A_10, %or3A : i1
    %convert_element_type3A = arith.extui %or3A_11 : i1 to i32
    %cond3A = arith.constant 0 : i32
    %cond3A_12 = arith.cmpi ne, %convert_element_type3A, %cond3A : i32
    scf.if %cond3A_12 {
      "tpu.region"() ({
        %run_scoped3A = tpu.sem_alloc : memref<!tpu.dma_semaphore, #tpu.memory_space<semaphore_mem>>
        %dma_start3A = arith.constant 0 : i32
        %dma_start3A_55 = arith.constant 0 : i32
        %dma_start3A_56 = tpu.memref_slice %arg3[%select_n3A, %dma_start3A, %dma_start3A_55] : memref<64x40x128xi32, #tpu.memory_space<hbm>> -> memref<1x40x128xi32, #tpu.memory_space<hbm>>
        %dma_start3A_57 = tpu.memref_squeeze %dma_start3A_56 : memref<1x40x128xi32, #tpu.memory_space<hbm>> -> memref<40x128xi32, #tpu.memory_space<hbm>>
        %dma_start3A_58 = arith.constant 0 : i32
        %dma_start3A_59 = arith.constant 0 : i32
        %dma_start3A_60 = tpu.memref_slice %arg3[%select_n3A, %dma_start3A_58, %dma_start3A_59] : memref<64x40x128xi32, #tpu.memory_space<hbm>> -> memref<1x40x128xi32, #tpu.memory_space<hbm>>
        %dma_start3A_61 = tpu.memref_squeeze %dma_start3A_60 : memref<1x40x128xi32, #tpu.memory_space<hbm>> -> memref<40x128xi32, #tpu.memory_space<hbm>>
        tpu.enqueue_dma source(%dma_start3A_61 : memref<40x128xi32, #tpu.memory_space<hbm>>) target(%arg7 : memref<40x128xi32, #tpu.memory_space<vmem>>) target_semaphore(%run_scoped3A : memref<!tpu.dma_semaphore, #tpu.memory_space<semaphore_mem>>)
        %dma_wait3A = arith.constant 0 : i32
        %dma_wait3A_62 = arith.constant 0 : i32
        %dma_wait3A_63 = tpu.memref_slice %arg3[%select_n3A, %dma_wait3A, %dma_wait3A_62] : memref<64x40x128xi32, #tpu.memory_space<hbm>> -> memref<1x40x128xi32, #tpu.memory_space<hbm>>
        %dma_wait3A_64 = tpu.memref_squeeze %dma_wait3A_63 : memref<1x40x128xi32, #tpu.memory_space<hbm>> -> memref<40x128xi32, #tpu.memory_space<hbm>>
        %dma_wait3A_65 = arith.constant 0 : i32
        %dma_wait3A_66 = arith.constant 0 : i32
        %dma_wait3A_67 = tpu.memref_slice %arg3[%select_n3A, %dma_wait3A_65, %dma_wait3A_66] : memref<64x40x128xi32, #tpu.memory_space<hbm>> -> memref<1x40x128xi32, #tpu.memory_space<hbm>>
        %dma_wait3A_68 = tpu.memref_squeeze %dma_wait3A_67 : memref<1x40x128xi32, #tpu.memory_space<hbm>> -> memref<40x128xi32, #tpu.memory_space<hbm>>
        tpu.wait_dma2 semaphore(%run_scoped3A : memref<!tpu.dma_semaphore, #tpu.memory_space<semaphore_mem>>) src(%dma_wait3A_68 : memref<40x128xi32, #tpu.memory_space<hbm>>) dst(%arg7 : memref<40x128xi32, #tpu.memory_space<vmem>>)
        tpu.yield
      }) : () -> ()
      "tpu.region"() ({
        %run_scoped3A = tpu.sem_alloc : memref<!tpu.dma_semaphore, #tpu.memory_space<semaphore_mem>>
        %dma_start3A = arith.constant 0 : i32
        %dma_start3A_55 = arith.constant 0 : i32
        %dma_start3A_56 = tpu.memref_slice %arg4[%select_n3A, %dma_start3A, %dma_start3A_55] : memref<64x40x128xi32, #tpu.memory_space<hbm>> -> memref<1x40x128xi32, #tpu.memory_space<hbm>>
        %dma_start3A_57 = tpu.memref_squeeze %dma_start3A_56 : memref<1x40x128xi32, #tpu.memory_space<hbm>> -> memref<40x128xi32, #tpu.memory_space<hbm>>
        %dma_start3A_58 = arith.constant 0 : i32
        %dma_start3A_59 = arith.constant 0 : i32
        %dma_start3A_60 = tpu.memref_slice %arg4[%select_n3A, %dma_start3A_58, %dma_start3A_59] : memref<64x40x128xi32, #tpu.memory_space<hbm>> -> memref<1x40x128xi32, #tpu.memory_space<hbm>>
        %dma_start3A_61 = tpu.memref_squeeze %dma_start3A_60 : memref<1x40x128xi32, #tpu.memory_space<hbm>> -> memref<40x128xi32, #tpu.memory_space<hbm>>
        tpu.enqueue_dma source(%dma_start3A_61 : memref<40x128xi32, #tpu.memory_space<hbm>>) target(%arg8 : memref<40x128xi32, #tpu.memory_space<vmem>>) target_semaphore(%run_scoped3A : memref<!tpu.dma_semaphore, #tpu.memory_space<semaphore_mem>>)
        %dma_wait3A = arith.constant 0 : i32
        %dma_wait3A_62 = arith.constant 0 : i32
        %dma_wait3A_63 = tpu.memref_slice %arg4[%select_n3A, %dma_wait3A, %dma_wait3A_62] : memref<64x40x128xi32, #tpu.memory_space<hbm>> -> memref<1x40x128xi32, #tpu.memory_space<hbm>>
        %dma_wait3A_64 = tpu.memref_squeeze %dma_wait3A_63 : memref<1x40x128xi32, #tpu.memory_space<hbm>> -> memref<40x128xi32, #tpu.memory_space<hbm>>
        %dma_wait3A_65 = arith.constant 0 : i32
        %dma_wait3A_66 = arith.constant 0 : i32
        %dma_wait3A_67 = tpu.memref_slice %arg4[%select_n3A, %dma_wait3A_65, %dma_wait3A_66] : memref<64x40x128xi32, #tpu.memory_space<hbm>> -> memref<1x40x128xi32, #tpu.memory_space<hbm>>
        %dma_wait3A_68 = tpu.memref_squeeze %dma_wait3A_67 : memref<1x40x128xi32, #tpu.memory_space<hbm>> -> memref<40x128xi32, #tpu.memory_space<hbm>>
        tpu.wait_dma2 semaphore(%run_scoped3A : memref<!tpu.dma_semaphore, #tpu.memory_space<semaphore_mem>>) src(%dma_wait3A_68 : memref<40x128xi32, #tpu.memory_space<hbm>>) dst(%arg8 : memref<40x128xi32, #tpu.memory_space<vmem>>)
        tpu.yield
      }) : () -> ()
      %scan3A = arith.constant 0 : i32
      %scan3A_50 = arith.constant 0 : i32
      %scan3A_51 = arith.constant 40 : i32
      %scan3A_52 = arith.addi %scan3A_50, %scan3A_51 : i32
      %scan3A_53 = arith.constant 1 : i32
      scf.for %scan3A_55 = %scan3A_50 to %scan3A_52 step %scan3A_53  : i32 {
        %dma_start3A = arith.constant 0 : i32
        %dma_start3A_56 = tpu.memref_slice %arg7[%scan3A_55, %dma_start3A] : memref<40x128xi32, #tpu.memory_space<vmem>> -> memref<1x128xi32, #tpu.memory_space<vmem>>
        %dma_start3A_57 = tpu.memref_squeeze %dma_start3A_56 : memref<1x128xi32, #tpu.memory_space<vmem>> -> memref<128xi32, #tpu.memory_space<vmem>>
        %dma_start3A_58 = arith.constant 0 : i32
        %dma_start3A_59 = arith.constant 0 : i32
        %dma_start3A_60 = tpu.memref_slice %arg2[%dma_start3A_58, %dma_start3A_59] : memref<10240x128xf32, #tpu.memory_space<hbm>> -> memref<10240x128xf32, #tpu.memory_space<hbm>>
        tpu.enqueue_indirect_dma source(%dma_start3A_60 : memref<10240x128xf32, #tpu.memory_space<hbm>>) target(%arg9 : memref<128x128xf32, #tpu.memory_space<vmem>>) offsets(%dma_start3A_57 : memref<128xi32, #tpu.memory_space<vmem>>) semaphore(%arg11 : memref<!tpu.dma_semaphore, #tpu.memory_space<semaphore_mem>>)
        %dma_wait3A = arith.constant 0 : i32
        %dma_wait3A_61 = tpu.memref_slice %arg7[%scan3A_55, %dma_wait3A] : memref<40x128xi32, #tpu.memory_space<vmem>> -> memref<1x128xi32, #tpu.memory_space<vmem>>
        %dma_wait3A_62 = tpu.memref_squeeze %dma_wait3A_61 : memref<1x128xi32, #tpu.memory_space<vmem>> -> memref<128xi32, #tpu.memory_space<vmem>>
        %dma_wait3A_63 = arith.constant 0 : i32
        %dma_wait3A_64 = arith.constant 0 : i32
        %dma_wait3A_65 = tpu.memref_slice %arg2[%dma_wait3A_63, %dma_wait3A_64] : memref<10240x128xf32, #tpu.memory_space<hbm>> -> memref<10240x128xf32, #tpu.memory_space<hbm>>
        tpu.wait_indirect_dma semaphore(%arg11 : memref<!tpu.dma_semaphore, #tpu.memory_space<semaphore_mem>>) src(%dma_wait3A_65 : memref<10240x128xf32, #tpu.memory_space<hbm>>) dst(%arg9 : memref<128x128xf32, #tpu.memory_space<vmem>>)
        "tpu.region"() ({
          %run_scoped3A = tpu.sem_alloc : memref<!tpu.dma_semaphore, #tpu.memory_space<semaphore_mem>>
          %dma_start3A_66 = arith.constant 0 : i32
          %dma_start3A_67 = tpu.memref_slice %arg8[%scan3A_55, %dma_start3A_66] : memref<40x128xi32, #tpu.memory_space<vmem>> -> memref<1x128xi32, #tpu.memory_space<vmem>>
          %dma_start3A_68 = tpu.memref_squeeze %dma_start3A_67 : memref<1x128xi32, #tpu.memory_space<vmem>> -> memref<128xi32, #tpu.memory_space<vmem>>
          %dma_start3A_69 = arith.constant 0 : i32
          %dma_start3A_70 = arith.constant 0 : i32
          %dma_start3A_71 = tpu.memref_slice %arg10[%dma_start3A_69, %dma_start3A_70] : memref<10240x128xf32, #tpu.memory_space<vmem_shared>> -> memref<10240x128xf32, #tpu.memory_space<vmem_shared>>
          tpu.enqueue_indirect_dma source(%arg9 : memref<128x128xf32, #tpu.memory_space<vmem>>) target(%dma_start3A_71 : memref<10240x128xf32, #tpu.memory_space<vmem_shared>>) offsets(%dma_start3A_68 : memref<128xi32, #tpu.memory_space<vmem>>) semaphore(%run_scoped3A : memref<!tpu.dma_semaphore, #tpu.memory_space<semaphore_mem>>) {add = true}
          %dma_wait3A_72 = arith.constant 0 : i32
          %dma_wait3A_73 = tpu.memref_slice %arg8[%scan3A_55, %dma_wait3A_72] : memref<40x128xi32, #tpu.memory_space<vmem>> -> memref<1x128xi32, #tpu.memory_space<vmem>>
          %dma_wait3A_74 = tpu.memref_squeeze %dma_wait3A_73 : memref<1x128xi32, #tpu.memory_space<vmem>> -> memref<128xi32, #tpu.memory_space<vmem>>
          %dma_wait3A_75 = arith.constant 0 : i32
          %dma_wait3A_76 = arith.constant 0 : i32
          %dma_wait3A_77 = tpu.memref_slice %arg10[%dma_wait3A_75, %dma_wait3A_76] : memref<10240x128xf32, #tpu.memory_space<vmem_shared>> -> memref<10240x128xf32, #tpu.memory_space<vmem_shared>>
          tpu.wait_indirect_dma semaphore(%run_scoped3A : memref<!tpu.dma_semaphore, #tpu.memory_space<semaphore_mem>>) src(%arg9 : memref<128x128xf32, #tpu.memory_space<vmem>>) dst(%dma_wait3A_77 : memref<10240x128xf32, #tpu.memory_space<vmem_shared>>)
          tpu.yield
        }) : () -> ()
      }
      %scan3A_54 = arith.constant 40 : i32
    } else {
    }
    %eq3A_13 = arith.constant 1 : i32
    %eq3A_14 = arith.cmpi eq, %arg0, %eq3A_13 : i32
    %mul3A_15 = arith.constant 3 : i32
    %mul3A_16 = arith.muli %mul3A_15, %arg1 : i32
    %add3A_17 = arith.constant 16 : i32
    %add3A_18 = arith.addi %add3A_17, %mul3A_16 : i32
    %add3A_19 = arith.constant 1 : i32
    %add3A_20 = arith.addi %add3A_18, %add3A_19 : i32
    %select_n3A_21 = arith.select %eq3A_14, %arg1, %add3A_20 : i32
    %eq3A_22 = arith.constant 0 : i32
    %eq3A_23 = arith.cmpi eq, %arg0, %eq3A_22 : i32
    %or3A_24 = arith.constant false
    %or3A_25 = arith.ori %eq3A_23, %or3A_24 : i1
    %convert_element_type3A_26 = arith.extui %or3A_25 : i1 to i32
    %cond3A_27 = arith.constant 0 : i32
    %cond3A_28 = arith.cmpi ne, %convert_element_type3A_26, %cond3A_27 : i32
    scf.if %cond3A_28 {
      "tpu.region"() ({
        %run_scoped3A = tpu.sem_alloc : memref<!tpu.dma_semaphore, #tpu.memory_space<semaphore_mem>>
        %dma_start3A = arith.constant 0 : i32
        %dma_start3A_55 = arith.constant 0 : i32
        %dma_start3A_56 = tpu.memref_slice %arg3[%select_n3A_21, %dma_start3A, %dma_start3A_55] : memref<64x40x128xi32, #tpu.memory_space<hbm>> -> memref<1x40x128xi32, #tpu.memory_space<hbm>>
        %dma_start3A_57 = tpu.memref_squeeze %dma_start3A_56 : memref<1x40x128xi32, #tpu.memory_space<hbm>> -> memref<40x128xi32, #tpu.memory_space<hbm>>
        %dma_start3A_58 = arith.constant 0 : i32
        %dma_start3A_59 = arith.constant 0 : i32
        %dma_start3A_60 = tpu.memref_slice %arg3[%select_n3A_21, %dma_start3A_58, %dma_start3A_59] : memref<64x40x128xi32, #tpu.memory_space<hbm>> -> memref<1x40x128xi32, #tpu.memory_space<hbm>>
        %dma_start3A_61 = tpu.memref_squeeze %dma_start3A_60 : memref<1x40x128xi32, #tpu.memory_space<hbm>> -> memref<40x128xi32, #tpu.memory_space<hbm>>
        tpu.enqueue_dma source(%dma_start3A_61 : memref<40x128xi32, #tpu.memory_space<hbm>>) target(%arg7 : memref<40x128xi32, #tpu.memory_space<vmem>>) target_semaphore(%run_scoped3A : memref<!tpu.dma_semaphore, #tpu.memory_space<semaphore_mem>>)
        %dma_wait3A = arith.constant 0 : i32
        %dma_wait3A_62 = arith.constant 0 : i32
        %dma_wait3A_63 = tpu.memref_slice %arg3[%select_n3A_21, %dma_wait3A, %dma_wait3A_62] : memref<64x40x128xi32, #tpu.memory_space<hbm>> -> memref<1x40x128xi32, #tpu.memory_space<hbm>>
        %dma_wait3A_64 = tpu.memref_squeeze %dma_wait3A_63 : memref<1x40x128xi32, #tpu.memory_space<hbm>> -> memref<40x128xi32, #tpu.memory_space<hbm>>
        %dma_wait3A_65 = arith.constant 0 : i32
        %dma_wait3A_66 = arith.constant 0 : i32
        %dma_wait3A_67 = tpu.memref_slice %arg3[%select_n3A_21, %dma_wait3A_65, %dma_wait3A_66] : memref<64x40x128xi32, #tpu.memory_space<hbm>> -> memref<1x40x128xi32, #tpu.memory_space<hbm>>
        %dma_wait3A_68 = tpu.memref_squeeze %dma_wait3A_67 : memref<1x40x128xi32, #tpu.memory_space<hbm>> -> memref<40x128xi32, #tpu.memory_space<hbm>>
        tpu.wait_dma2 semaphore(%run_scoped3A : memref<!tpu.dma_semaphore, #tpu.memory_space<semaphore_mem>>) src(%dma_wait3A_68 : memref<40x128xi32, #tpu.memory_space<hbm>>) dst(%arg7 : memref<40x128xi32, #tpu.memory_space<vmem>>)
        tpu.yield
      }) : () -> ()
      "tpu.region"() ({
        %run_scoped3A = tpu.sem_alloc : memref<!tpu.dma_semaphore, #tpu.memory_space<semaphore_mem>>
        %dma_start3A = arith.constant 0 : i32
        %dma_start3A_55 = arith.constant 0 : i32
        %dma_start3A_56 = tpu.memref_slice %arg4[%select_n3A_21, %dma_start3A, %dma_start3A_55] : memref<64x40x128xi32, #tpu.memory_space<hbm>> -> memref<1x40x128xi32, #tpu.memory_space<hbm>>
        %dma_start3A_57 = tpu.memref_squeeze %dma_start3A_56 : memref<1x40x128xi32, #tpu.memory_space<hbm>> -> memref<40x128xi32, #tpu.memory_space<hbm>>
        %dma_start3A_58 = arith.constant 0 : i32
        %dma_start3A_59 = arith.constant 0 : i32
        %dma_start3A_60 = tpu.memref_slice %arg4[%select_n3A_21, %dma_start3A_58, %dma_start3A_59] : memref<64x40x128xi32, #tpu.memory_space<hbm>> -> memref<1x40x128xi32, #tpu.memory_space<hbm>>
        %dma_start3A_61 = tpu.memref_squeeze %dma_start3A_60 : memref<1x40x128xi32, #tpu.memory_space<hbm>> -> memref<40x128xi32, #tpu.memory_space<hbm>>
        tpu.enqueue_dma source(%dma_start3A_61 : memref<40x128xi32, #tpu.memory_space<hbm>>) target(%arg8 : memref<40x128xi32, #tpu.memory_space<vmem>>) target_semaphore(%run_scoped3A : memref<!tpu.dma_semaphore, #tpu.memory_space<semaphore_mem>>)
        %dma_wait3A = arith.constant 0 : i32
        %dma_wait3A_62 = arith.constant 0 : i32
        %dma_wait3A_63 = tpu.memref_slice %arg4[%select_n3A_21, %dma_wait3A, %dma_wait3A_62] : memref<64x40x128xi32, #tpu.memory_space<hbm>> -> memref<1x40x128xi32, #tpu.memory_space<hbm>>
        %dma_wait3A_64 = tpu.memref_squeeze %dma_wait3A_63 : memref<1x40x128xi32, #tpu.memory_space<hbm>> -> memref<40x128xi32, #tpu.memory_space<hbm>>
        %dma_wait3A_65 = arith.constant 0 : i32
        %dma_wait3A_66 = arith.constant 0 : i32
        %dma_wait3A_67 = tpu.memref_slice %arg4[%select_n3A_21, %dma_wait3A_65, %dma_wait3A_66] : memref<64x40x128xi32, #tpu.memory_space<hbm>> -> memref<1x40x128xi32, #tpu.memory_space<hbm>>
        %dma_wait3A_68 = tpu.memref_squeeze %dma_wait3A_67 : memref<1x40x128xi32, #tpu.memory_space<hbm>> -> memref<40x128xi32, #tpu.memory_space<hbm>>
        tpu.wait_dma2 semaphore(%run_scoped3A : memref<!tpu.dma_semaphore, #tpu.memory_space<semaphore_mem>>) src(%dma_wait3A_68 : memref<40x128xi32, #tpu.memory_space<hbm>>) dst(%arg8 : memref<40x128xi32, #tpu.memory_space<vmem>>)
        tpu.yield
      }) : () -> ()
      %scan3A = arith.constant 0 : i32
      %scan3A_50 = arith.constant 0 : i32
      %scan3A_51 = arith.constant 40 : i32
      %scan3A_52 = arith.addi %scan3A_50, %scan3A_51 : i32
      %scan3A_53 = arith.constant 1 : i32
      scf.for %scan3A_55 = %scan3A_50 to %scan3A_52 step %scan3A_53  : i32 {
        %dma_start3A = arith.constant 0 : i32
        %dma_start3A_56 = tpu.memref_slice %arg7[%scan3A_55, %dma_start3A] : memref<40x128xi32, #tpu.memory_space<vmem>> -> memref<1x128xi32, #tpu.memory_space<vmem>>
        %dma_start3A_57 = tpu.memref_squeeze %dma_start3A_56 : memref<1x128xi32, #tpu.memory_space<vmem>> -> memref<128xi32, #tpu.memory_space<vmem>>
        %dma_start3A_58 = arith.constant 0 : i32
        %dma_start3A_59 = arith.constant 0 : i32
        %dma_start3A_60 = tpu.memref_slice %arg2[%dma_start3A_58, %dma_start3A_59] : memref<10240x128xf32, #tpu.memory_space<hbm>> -> memref<10240x128xf32, #tpu.memory_space<hbm>>
        tpu.enqueue_indirect_dma source(%dma_start3A_60 : memref<10240x128xf32, #tpu.memory_space<hbm>>) target(%arg9 : memref<128x128xf32, #tpu.memory_space<vmem>>) offsets(%dma_start3A_57 : memref<128xi32, #tpu.memory_space<vmem>>) semaphore(%arg11 : memref<!tpu.dma_semaphore, #tpu.memory_space<semaphore_mem>>)
        %dma_wait3A = arith.constant 0 : i32
        %dma_wait3A_61 = tpu.memref_slice %arg7[%scan3A_55, %dma_wait3A] : memref<40x128xi32, #tpu.memory_space<vmem>> -> memref<1x128xi32, #tpu.memory_space<vmem>>
        %dma_wait3A_62 = tpu.memref_squeeze %dma_wait3A_61 : memref<1x128xi32, #tpu.memory_space<vmem>> -> memref<128xi32, #tpu.memory_space<vmem>>
        %dma_wait3A_63 = arith.constant 0 : i32
        %dma_wait3A_64 = arith.constant 0 : i32
        %dma_wait3A_65 = tpu.memref_slice %arg2[%dma_wait3A_63, %dma_wait3A_64] : memref<10240x128xf32, #tpu.memory_space<hbm>> -> memref<10240x128xf32, #tpu.memory_space<hbm>>
        tpu.wait_indirect_dma semaphore(%arg11 : memref<!tpu.dma_semaphore, #tpu.memory_space<semaphore_mem>>) src(%dma_wait3A_65 : memref<10240x128xf32, #tpu.memory_space<hbm>>) dst(%arg9 : memref<128x128xf32, #tpu.memory_space<vmem>>)
        "tpu.region"() ({
          %run_scoped3A = tpu.sem_alloc : memref<!tpu.dma_semaphore, #tpu.memory_space<semaphore_mem>>
          %dma_start3A_66 = arith.constant 0 : i32
          %dma_start3A_67 = tpu.memref_slice %arg8[%scan3A_55, %dma_start3A_66] : memref<40x128xi32, #tpu.memory_space<vmem>> -> memref<1x128xi32, #tpu.memory_space<vmem>>
          %dma_start3A_68 = tpu.memref_squeeze %dma_start3A_67 : memref<1x128xi32, #tpu.memory_space<vmem>> -> memref<128xi32, #tpu.memory_space<vmem>>
          %dma_start3A_69 = arith.constant 0 : i32
          %dma_start3A_70 = arith.constant 0 : i32
          %dma_start3A_71 = tpu.memref_slice %arg10[%dma_start3A_69, %dma_start3A_70] : memref<10240x128xf32, #tpu.memory_space<vmem_shared>> -> memref<10240x128xf32, #tpu.memory_space<vmem_shared>>
          tpu.enqueue_indirect_dma source(%arg9 : memref<128x128xf32, #tpu.memory_space<vmem>>) target(%dma_start3A_71 : memref<10240x128xf32, #tpu.memory_space<vmem_shared>>) offsets(%dma_start3A_68 : memref<128xi32, #tpu.memory_space<vmem>>) semaphore(%run_scoped3A : memref<!tpu.dma_semaphore, #tpu.memory_space<semaphore_mem>>) {add = true}
          %dma_wait3A_72 = arith.constant 0 : i32
          %dma_wait3A_73 = tpu.memref_slice %arg8[%scan3A_55, %dma_wait3A_72] : memref<40x128xi32, #tpu.memory_space<vmem>> -> memref<1x128xi32, #tpu.memory_space<vmem>>
          %dma_wait3A_74 = tpu.memref_squeeze %dma_wait3A_73 : memref<1x128xi32, #tpu.memory_space<vmem>> -> memref<128xi32, #tpu.memory_space<vmem>>
          %dma_wait3A_75 = arith.constant 0 : i32
          %dma_wait3A_76 = arith.constant 0 : i32
          %dma_wait3A_77 = tpu.memref_slice %arg10[%dma_wait3A_75, %dma_wait3A_76] : memref<10240x128xf32, #tpu.memory_space<vmem_shared>> -> memref<10240x128xf32, #tpu.memory_space<vmem_shared>>
          tpu.wait_indirect_dma semaphore(%run_scoped3A : memref<!tpu.dma_semaphore, #tpu.memory_space<semaphore_mem>>) src(%arg9 : memref<128x128xf32, #tpu.memory_space<vmem>>) dst(%dma_wait3A_77 : memref<10240x128xf32, #tpu.memory_space<vmem_shared>>)
          tpu.yield
        }) : () -> ()
      }
      %scan3A_54 = arith.constant 40 : i32
    } else {
    }
    %eq3A_29 = arith.constant 1 : i32
    %eq3A_30 = arith.cmpi eq, %arg0, %eq3A_29 : i32
    %mul3A_31 = arith.constant 3 : i32
    %mul3A_32 = arith.muli %mul3A_31, %arg1 : i32
    %add3A_33 = arith.constant 16 : i32
    %add3A_34 = arith.addi %add3A_33, %mul3A_32 : i32
    %add3A_35 = arith.constant 2 : i32
    %add3A_36 = arith.addi %add3A_34, %add3A_35 : i32
    %select_n3A_37 = arith.select %eq3A_30, %arg1, %add3A_36 : i32
    %eq3A_38 = arith.constant 0 : i32
    %eq3A_39 = arith.cmpi eq, %arg0, %eq3A_38 : i32
    %or3A_40 = arith.constant false
    %or3A_41 = arith.ori %eq3A_39, %or3A_40 : i1
    %convert_element_type3A_42 = arith.extui %or3A_41 : i1 to i32
    %cond3A_43 = arith.constant 0 : i32
    %cond3A_44 = arith.cmpi ne, %convert_element_type3A_42, %cond3A_43 : i32
    scf.if %cond3A_44 {
      "tpu.region"() ({
        %run_scoped3A = tpu.sem_alloc : memref<!tpu.dma_semaphore, #tpu.memory_space<semaphore_mem>>
        %dma_start3A = arith.constant 0 : i32
        %dma_start3A_55 = arith.constant 0 : i32
        %dma_start3A_56 = tpu.memref_slice %arg3[%select_n3A_37, %dma_start3A, %dma_start3A_55] : memref<64x40x128xi32, #tpu.memory_space<hbm>> -> memref<1x40x128xi32, #tpu.memory_space<hbm>>
        %dma_start3A_57 = tpu.memref_squeeze %dma_start3A_56 : memref<1x40x128xi32, #tpu.memory_space<hbm>> -> memref<40x128xi32, #tpu.memory_space<hbm>>
        %dma_start3A_58 = arith.constant 0 : i32
        %dma_start3A_59 = arith.constant 0 : i32
        %dma_start3A_60 = tpu.memref_slice %arg3[%select_n3A_37, %dma_start3A_58, %dma_start3A_59] : memref<64x40x128xi32, #tpu.memory_space<hbm>> -> memref<1x40x128xi32, #tpu.memory_space<hbm>>
        %dma_start3A_61 = tpu.memref_squeeze %dma_start3A_60 : memref<1x40x128xi32, #tpu.memory_space<hbm>> -> memref<40x128xi32, #tpu.memory_space<hbm>>
        tpu.enqueue_dma source(%dma_start3A_61 : memref<40x128xi32, #tpu.memory_space<hbm>>) target(%arg7 : memref<40x128xi32, #tpu.memory_space<vmem>>) target_semaphore(%run_scoped3A : memref<!tpu.dma_semaphore, #tpu.memory_space<semaphore_mem>>)
        %dma_wait3A = arith.constant 0 : i32
        %dma_wait3A_62 = arith.constant 0 : i32
        %dma_wait3A_63 = tpu.memref_slice %arg3[%select_n3A_37, %dma_wait3A, %dma_wait3A_62] : memref<64x40x128xi32, #tpu.memory_space<hbm>> -> memref<1x40x128xi32, #tpu.memory_space<hbm>>
        %dma_wait3A_64 = tpu.memref_squeeze %dma_wait3A_63 : memref<1x40x128xi32, #tpu.memory_space<hbm>> -> memref<40x128xi32, #tpu.memory_space<hbm>>
        %dma_wait3A_65 = arith.constant 0 : i32
        %dma_wait3A_66 = arith.constant 0 : i32
        %dma_wait3A_67 = tpu.memref_slice %arg3[%select_n3A_37, %dma_wait3A_65, %dma_wait3A_66] : memref<64x40x128xi32, #tpu.memory_space<hbm>> -> memref<1x40x128xi32, #tpu.memory_space<hbm>>
        %dma_wait3A_68 = tpu.memref_squeeze %dma_wait3A_67 : memref<1x40x128xi32, #tpu.memory_space<hbm>> -> memref<40x128xi32, #tpu.memory_space<hbm>>
        tpu.wait_dma2 semaphore(%run_scoped3A : memref<!tpu.dma_semaphore, #tpu.memory_space<semaphore_mem>>) src(%dma_wait3A_68 : memref<40x128xi32, #tpu.memory_space<hbm>>) dst(%arg7 : memref<40x128xi32, #tpu.memory_space<vmem>>)
        tpu.yield
      }) : () -> ()
      "tpu.region"() ({
        %run_scoped3A = tpu.sem_alloc : memref<!tpu.dma_semaphore, #tpu.memory_space<semaphore_mem>>
        %dma_start3A = arith.constant 0 : i32
        %dma_start3A_55 = arith.constant 0 : i32
        %dma_start3A_56 = tpu.memref_slice %arg4[%select_n3A_37, %dma_start3A, %dma_start3A_55] : memref<64x40x128xi32, #tpu.memory_space<hbm>> -> memref<1x40x128xi32, #tpu.memory_space<hbm>>
        %dma_start3A_57 = tpu.memref_squeeze %dma_start3A_56 : memref<1x40x128xi32, #tpu.memory_space<hbm>> -> memref<40x128xi32, #tpu.memory_space<hbm>>
        %dma_start3A_58 = arith.constant 0 : i32
        %dma_start3A_59 = arith.constant 0 : i32
        %dma_start3A_60 = tpu.memref_slice %arg4[%select_n3A_37, %dma_start3A_58, %dma_start3A_59] : memref<64x40x128xi32, #tpu.memory_space<hbm>> -> memref<1x40x128xi32, #tpu.memory_space<hbm>>
        %dma_start3A_61 = tpu.memref_squeeze %dma_start3A_60 : memref<1x40x128xi32, #tpu.memory_space<hbm>> -> memref<40x128xi32, #tpu.memory_space<hbm>>
        tpu.enqueue_dma source(%dma_start3A_61 : memref<40x128xi32, #tpu.memory_space<hbm>>) target(%arg8 : memref<40x128xi32, #tpu.memory_space<vmem>>) target_semaphore(%run_scoped3A : memref<!tpu.dma_semaphore, #tpu.memory_space<semaphore_mem>>)
        %dma_wait3A = arith.constant 0 : i32
        %dma_wait3A_62 = arith.constant 0 : i32
        %dma_wait3A_63 = tpu.memref_slice %arg4[%select_n3A_37, %dma_wait3A, %dma_wait3A_62] : memref<64x40x128xi32, #tpu.memory_space<hbm>> -> memref<1x40x128xi32, #tpu.memory_space<hbm>>
        %dma_wait3A_64 = tpu.memref_squeeze %dma_wait3A_63 : memref<1x40x128xi32, #tpu.memory_space<hbm>> -> memref<40x128xi32, #tpu.memory_space<hbm>>
        %dma_wait3A_65 = arith.constant 0 : i32
        %dma_wait3A_66 = arith.constant 0 : i32
        %dma_wait3A_67 = tpu.memref_slice %arg4[%select_n3A_37, %dma_wait3A_65, %dma_wait3A_66] : memref<64x40x128xi32, #tpu.memory_space<hbm>> -> memref<1x40x128xi32, #tpu.memory_space<hbm>>
        %dma_wait3A_68 = tpu.memref_squeeze %dma_wait3A_67 : memref<1x40x128xi32, #tpu.memory_space<hbm>> -> memref<40x128xi32, #tpu.memory_space<hbm>>
        tpu.wait_dma2 semaphore(%run_scoped3A : memref<!tpu.dma_semaphore, #tpu.memory_space<semaphore_mem>>) src(%dma_wait3A_68 : memref<40x128xi32, #tpu.memory_space<hbm>>) dst(%arg8 : memref<40x128xi32, #tpu.memory_space<vmem>>)
        tpu.yield
      }) : () -> ()
      %scan3A = arith.constant 0 : i32
      %scan3A_50 = arith.constant 0 : i32
      %scan3A_51 = arith.constant 40 : i32
      %scan3A_52 = arith.addi %scan3A_50, %scan3A_51 : i32
      %scan3A_53 = arith.constant 1 : i32
      scf.for %scan3A_55 = %scan3A_50 to %scan3A_52 step %scan3A_53  : i32 {
        %dma_start3A = arith.constant 0 : i32
        %dma_start3A_56 = tpu.memref_slice %arg7[%scan3A_55, %dma_start3A] : memref<40x128xi32, #tpu.memory_space<vmem>> -> memref<1x128xi32, #tpu.memory_space<vmem>>
        %dma_start3A_57 = tpu.memref_squeeze %dma_start3A_56 : memref<1x128xi32, #tpu.memory_space<vmem>> -> memref<128xi32, #tpu.memory_space<vmem>>
        %dma_start3A_58 = arith.constant 0 : i32
        %dma_start3A_59 = arith.constant 0 : i32
        %dma_start3A_60 = tpu.memref_slice %arg2[%dma_start3A_58, %dma_start3A_59] : memref<10240x128xf32, #tpu.memory_space<hbm>> -> memref<10240x128xf32, #tpu.memory_space<hbm>>
        tpu.enqueue_indirect_dma source(%dma_start3A_60 : memref<10240x128xf32, #tpu.memory_space<hbm>>) target(%arg9 : memref<128x128xf32, #tpu.memory_space<vmem>>) offsets(%dma_start3A_57 : memref<128xi32, #tpu.memory_space<vmem>>) semaphore(%arg11 : memref<!tpu.dma_semaphore, #tpu.memory_space<semaphore_mem>>)
        %dma_wait3A = arith.constant 0 : i32
        %dma_wait3A_61 = tpu.memref_slice %arg7[%scan3A_55, %dma_wait3A] : memref<40x128xi32, #tpu.memory_space<vmem>> -> memref<1x128xi32, #tpu.memory_space<vmem>>
        %dma_wait3A_62 = tpu.memref_squeeze %dma_wait3A_61 : memref<1x128xi32, #tpu.memory_space<vmem>> -> memref<128xi32, #tpu.memory_space<vmem>>
        %dma_wait3A_63 = arith.constant 0 : i32
        %dma_wait3A_64 = arith.constant 0 : i32
        %dma_wait3A_65 = tpu.memref_slice %arg2[%dma_wait3A_63, %dma_wait3A_64] : memref<10240x128xf32, #tpu.memory_space<hbm>> -> memref<10240x128xf32, #tpu.memory_space<hbm>>
        tpu.wait_indirect_dma semaphore(%arg11 : memref<!tpu.dma_semaphore, #tpu.memory_space<semaphore_mem>>) src(%dma_wait3A_65 : memref<10240x128xf32, #tpu.memory_space<hbm>>) dst(%arg9 : memref<128x128xf32, #tpu.memory_space<vmem>>)
        "tpu.region"() ({
          %run_scoped3A = tpu.sem_alloc : memref<!tpu.dma_semaphore, #tpu.memory_space<semaphore_mem>>
          %dma_start3A_66 = arith.constant 0 : i32
          %dma_start3A_67 = tpu.memref_slice %arg8[%scan3A_55, %dma_start3A_66] : memref<40x128xi32, #tpu.memory_space<vmem>> -> memref<1x128xi32, #tpu.memory_space<vmem>>
          %dma_start3A_68 = tpu.memref_squeeze %dma_start3A_67 : memref<1x128xi32, #tpu.memory_space<vmem>> -> memref<128xi32, #tpu.memory_space<vmem>>
          %dma_start3A_69 = arith.constant 0 : i32
          %dma_start3A_70 = arith.constant 0 : i32
          %dma_start3A_71 = tpu.memref_slice %arg10[%dma_start3A_69, %dma_start3A_70] : memref<10240x128xf32, #tpu.memory_space<vmem_shared>> -> memref<10240x128xf32, #tpu.memory_space<vmem_shared>>
          tpu.enqueue_indirect_dma source(%arg9 : memref<128x128xf32, #tpu.memory_space<vmem>>) target(%dma_start3A_71 : memref<10240x128xf32, #tpu.memory_space<vmem_shared>>) offsets(%dma_start3A_68 : memref<128xi32, #tpu.memory_space<vmem>>) semaphore(%run_scoped3A : memref<!tpu.dma_semaphore, #tpu.memory_space<semaphore_mem>>) {add = true}
          %dma_wait3A_72 = arith.constant 0 : i32
          %dma_wait3A_73 = tpu.memref_slice %arg8[%scan3A_55, %dma_wait3A_72] : memref<40x128xi32, #tpu.memory_space<vmem>> -> memref<1x128xi32, #tpu.memory_space<vmem>>
          %dma_wait3A_74 = tpu.memref_squeeze %dma_wait3A_73 : memref<1x128xi32, #tpu.memory_space<vmem>> -> memref<128xi32, #tpu.memory_space<vmem>>
          %dma_wait3A_75 = arith.constant 0 : i32
          %dma_wait3A_76 = arith.constant 0 : i32
          %dma_wait3A_77 = tpu.memref_slice %arg10[%dma_wait3A_75, %dma_wait3A_76] : memref<10240x128xf32, #tpu.memory_space<vmem_shared>> -> memref<10240x128xf32, #tpu.memory_space<vmem_shared>>
          tpu.wait_indirect_dma semaphore(%run_scoped3A : memref<!tpu.dma_semaphore, #tpu.memory_space<semaphore_mem>>) src(%arg9 : memref<128x128xf32, #tpu.memory_space<vmem>>) dst(%dma_wait3A_77 : memref<10240x128xf32, #tpu.memory_space<vmem_shared>>)
          tpu.yield
        }) : () -> ()
      }
      %scan3A_54 = arith.constant 40 : i32
    } else {
    }
    %barrier3A_45 = arith.constant 0 : index
    tpu.barrier barrier_id(%barrier3A_45)
    %mul3A_46 = arith.constant 640 : i32
    %mul3A_47 = arith.muli %arg1, %mul3A_46 : i32
    %mul3A_48 = arith.constant 640 : i32
    %mul3A_49 = arith.muli %arg1, %mul3A_48 : i32
    "tpu.region"() ({
      %run_scoped3A = tpu.sem_alloc : memref<!tpu.dma_semaphore, #tpu.memory_space<semaphore_mem>>
      %dma_start3A = arith.constant 0 : i32
      %dma_start3A_50 = tpu.memref_slice %arg6[%arg0, %mul3A_49, %dma_start3A] : memref<2x10240x128xf32, #tpu.memory_space<hbm>> -> memref<1x640x128xf32, #tpu.memory_space<hbm>>
      %dma_start3A_51 = tpu.memref_squeeze %dma_start3A_50 : memref<1x640x128xf32, #tpu.memory_space<hbm>> -> memref<640x128xf32, #tpu.memory_space<hbm>>
      %dma_start3A_52 = arith.constant 0 : i32
      %dma_start3A_53 = tpu.memref_slice %arg10[%mul3A_47, %dma_start3A_52] : memref<10240x128xf32, #tpu.memory_space<vmem_shared>> -> memref<640x128xf32, #tpu.memory_space<vmem_shared>>
      tpu.enqueue_dma source(%dma_start3A_53 : memref<640x128xf32, #tpu.memory_space<vmem_shared>>) target(%dma_start3A_51 : memref<640x128xf32, #tpu.memory_space<hbm>>) target_semaphore(%run_scoped3A : memref<!tpu.dma_semaphore, #tpu.memory_space<semaphore_mem>>)
      %dma_wait3A = arith.constant 0 : i32
      %dma_wait3A_54 = tpu.memref_slice %arg6[%arg0, %mul3A_49, %dma_wait3A] : memref<2x10240x128xf32, #tpu.memory_space<hbm>> -> memref<1x640x128xf32, #tpu.memory_space<hbm>>
      %dma_wait3A_55 = tpu.memref_squeeze %dma_wait3A_54 : memref<1x640x128xf32, #tpu.memory_space<hbm>> -> memref<640x128xf32, #tpu.memory_space<hbm>>
      %dma_wait3A_56 = arith.constant 0 : i32
      %dma_wait3A_57 = tpu.memref_slice %arg10[%mul3A_47, %dma_wait3A_56] : memref<10240x128xf32, #tpu.memory_space<vmem_shared>> -> memref<640x128xf32, #tpu.memory_space<vmem_shared>>
      tpu.wait_dma2 semaphore(%run_scoped3A : memref<!tpu.dma_semaphore, #tpu.memory_space<semaphore_mem>>) src(%dma_wait3A_57 : memref<640x128xf32, #tpu.memory_space<vmem_shared>>) dst(%dma_wait3A_55 : memref<640x128xf32, #tpu.memory_space<hbm>>)
      tpu.yield
    }) : () -> ()
    return
  }
}

#map = affine_map<(d0, d1) -> (0, 0)>
module attributes {stable_mosaic.version = 14 : i64} {
  func.func @_sc_degree(%arg0: i32, %arg1: i32, %arg2: memref<32x10240xi32, #tpu.memory_space<hbm>>, %arg3: memref<32x10240xf32, #tpu.memory_space<hbm>>, %arg4: memref<10240xi32, #tpu.memory_space<vmem>>, %arg5: memref<10240xf32, #tpu.memory_space<vmem>>) attributes {dimension_semantics = [#tpu.dimension_semantics<core_parallel>, #tpu.dimension_semantics<subcore_parallel>], iteration_bounds = array<i64: 2, 16>, scalar_prefetch = 0 : i64, scratch_operands = 2 : i64, tpu.core_type = #tpu.core_type<sc_vector_subcore>, window_params = [{transform_indices = #map}, {transform_indices = #map}]} {
    %mul3A = arith.constant 16 : i32
    %mul3A_0 = arith.muli %arg0, %mul3A : i32
    %add3A = arith.addi %mul3A_0, %arg1 : i32
    "tpu.region"() ({
      %run_scoped3A = tpu.sem_alloc : memref<!tpu.dma_semaphore, #tpu.memory_space<semaphore_mem>>
      %dma_start3A = arith.constant 0 : i32
      %dma_start3A_13 = tpu.memref_slice %arg2[%add3A, %dma_start3A] : memref<32x10240xi32, #tpu.memory_space<hbm>> -> memref<1x10240xi32, #tpu.memory_space<hbm>>
      %dma_start3A_14 = tpu.memref_squeeze %dma_start3A_13 : memref<1x10240xi32, #tpu.memory_space<hbm>> -> memref<10240xi32, #tpu.memory_space<hbm>>
      %dma_start3A_15 = arith.constant 0 : i32
      %dma_start3A_16 = tpu.memref_slice %arg2[%add3A, %dma_start3A_15] : memref<32x10240xi32, #tpu.memory_space<hbm>> -> memref<1x10240xi32, #tpu.memory_space<hbm>>
      %dma_start3A_17 = tpu.memref_squeeze %dma_start3A_16 : memref<1x10240xi32, #tpu.memory_space<hbm>> -> memref<10240xi32, #tpu.memory_space<hbm>>
      tpu.enqueue_dma source(%dma_start3A_17 : memref<10240xi32, #tpu.memory_space<hbm>>) target(%arg4 : memref<10240xi32, #tpu.memory_space<vmem>>) target_semaphore(%run_scoped3A : memref<!tpu.dma_semaphore, #tpu.memory_space<semaphore_mem>>)
      %dma_wait3A = arith.constant 0 : i32
      %dma_wait3A_18 = tpu.memref_slice %arg2[%add3A, %dma_wait3A] : memref<32x10240xi32, #tpu.memory_space<hbm>> -> memref<1x10240xi32, #tpu.memory_space<hbm>>
      %dma_wait3A_19 = tpu.memref_squeeze %dma_wait3A_18 : memref<1x10240xi32, #tpu.memory_space<hbm>> -> memref<10240xi32, #tpu.memory_space<hbm>>
      %dma_wait3A_20 = arith.constant 0 : i32
      %dma_wait3A_21 = tpu.memref_slice %arg2[%add3A, %dma_wait3A_20] : memref<32x10240xi32, #tpu.memory_space<hbm>> -> memref<1x10240xi32, #tpu.memory_space<hbm>>
      %dma_wait3A_22 = tpu.memref_squeeze %dma_wait3A_21 : memref<1x10240xi32, #tpu.memory_space<hbm>> -> memref<10240xi32, #tpu.memory_space<hbm>>
      tpu.wait_dma2 semaphore(%run_scoped3A : memref<!tpu.dma_semaphore, #tpu.memory_space<semaphore_mem>>) src(%dma_wait3A_22 : memref<10240xi32, #tpu.memory_space<hbm>>) dst(%arg4 : memref<10240xi32, #tpu.memory_space<vmem>>)
      tpu.yield
    }) : () -> ()
    %scan3A = arith.constant 0 : i32
    %scan3A_1 = arith.constant 0 : i32
    %scan3A_2 = arith.constant 640 : i32
    %scan3A_3 = arith.addi %scan3A_1, %scan3A_2 : i32
    %scan3A_4 = arith.constant 1 : i32
    scf.for %scan3A_13 = %scan3A_1 to %scan3A_3 step %scan3A_4  : i32 {
      %broadcast_in_dim3A_14 = arith.constant 0.000000e+00 : f32
      %broadcast_in_dim3A_15 = vector.broadcast %broadcast_in_dim3A_14 : f32 to vector<16xf32>
      %mul3A_16 = arith.constant 16 : i32
      %mul3A_17 = arith.muli %scan3A_13, %mul3A_16 : i32
      %multiple_of3A = tpu.assume_multiple %mul3A_17, 16 : i32
      %swap3A = arith.index_cast %multiple_of3A : i32 to index
      %swap3A_18 = tpu.vector_load %arg5[%swap3A] {strides = array<i32>} : memref<10240xf32, #tpu.memory_space<vmem>>, vector<16xf32>,
      tpu.vector_store %arg5[%swap3A], %broadcast_in_dim3A_15 {strides = array<i32>} : memref<10240xf32, #tpu.memory_space<vmem>>, vector<16xf32>,
    }
    %scan3A_5 = arith.constant 640 : i32
    %broadcast_in_dim3A = arith.constant 1.000000e+00 : f32
    %broadcast_in_dim3A_6 = vector.broadcast %broadcast_in_dim3A : f32 to vector<16xf32>
    %scan3A_7 = arith.constant 0 : i32
    %scan3A_8 = arith.constant 0 : i32
    %scan3A_9 = arith.constant 640 : i32
    %scan3A_10 = arith.addi %scan3A_8, %scan3A_9 : i32
    %scan3A_11 = arith.constant 1 : i32
    scf.for %scan3A_13 = %scan3A_8 to %scan3A_10 step %scan3A_11  : i32 {
      %mul3A_14 = arith.constant 16 : i32
      %mul3A_15 = arith.muli %scan3A_13, %mul3A_14 : i32
      %multiple_of3A = tpu.assume_multiple %mul3A_15, 16 : i32
      %get3A = arith.index_cast %multiple_of3A : i32 to index
      %get3A_16 = tpu.vector_load %arg4[%get3A] {strides = array<i32>} : memref<10240xi32, #tpu.memory_space<vmem>>, vector<16xi32>,
      tpu.vector_store_idx %arg5[%get3A_16], %broadcast_in_dim3A_6 {add = true} : memref<10240xf32, #tpu.memory_space<vmem>>[vector<16xi32>], vector<16xf32>,
    }
    %scan3A_12 = arith.constant 640 : i32
    "tpu.region"() ({
      %run_scoped3A = tpu.sem_alloc : memref<!tpu.dma_semaphore, #tpu.memory_space<semaphore_mem>>
      %dma_start3A = arith.constant 0 : i32
      %dma_start3A_13 = tpu.memref_slice %arg3[%add3A, %dma_start3A] : memref<32x10240xf32, #tpu.memory_space<hbm>> -> memref<1x10240xf32, #tpu.memory_space<hbm>>
      %dma_start3A_14 = tpu.memref_squeeze %dma_start3A_13 : memref<1x10240xf32, #tpu.memory_space<hbm>> -> memref<10240xf32, #tpu.memory_space<hbm>>
      %dma_start3A_15 = arith.constant 0 : i32
      %dma_start3A_16 = tpu.memref_slice %arg3[%add3A, %dma_start3A_15] : memref<32x10240xf32, #tpu.memory_space<hbm>> -> memref<1x10240xf32, #tpu.memory_space<hbm>>
      %dma_start3A_17 = tpu.memref_squeeze %dma_start3A_16 : memref<1x10240xf32, #tpu.memory_space<hbm>> -> memref<10240xf32, #tpu.memory_space<hbm>>
      tpu.enqueue_dma source(%arg5 : memref<10240xf32, #tpu.memory_space<vmem>>) target(%dma_start3A_17 : memref<10240xf32, #tpu.memory_space<hbm>>) target_semaphore(%run_scoped3A : memref<!tpu.dma_semaphore, #tpu.memory_space<semaphore_mem>>)
      %dma_wait3A = arith.constant 0 : i32
      %dma_wait3A_18 = tpu.memref_slice %arg3[%add3A, %dma_wait3A] : memref<32x10240xf32, #tpu.memory_space<hbm>> -> memref<1x10240xf32, #tpu.memory_space<hbm>>
      %dma_wait3A_19 = tpu.memref_squeeze %dma_wait3A_18 : memref<1x10240xf32, #tpu.memory_space<hbm>> -> memref<10240xf32, #tpu.memory_space<hbm>>
      %dma_wait3A_20 = arith.constant 0 : i32
      %dma_wait3A_21 = tpu.memref_slice %arg3[%add3A, %dma_wait3A_20] : memref<32x10240xf32, #tpu.memory_space<hbm>> -> memref<1x10240xf32, #tpu.memory_space<hbm>>
      %dma_wait3A_22 = tpu.memref_squeeze %dma_wait3A_21 : memref<1x10240xf32, #tpu.memory_space<hbm>> -> memref<10240xf32, #tpu.memory_space<hbm>>
      tpu.wait_dma2 semaphore(%run_scoped3A : memref<!tpu.dma_semaphore, #tpu.memory_space<semaphore_mem>>) src(%arg5 : memref<10240xf32, #tpu.memory_space<vmem>>) dst(%dma_wait3A_22 : memref<10240xf32, #tpu.memory_space<hbm>>)
      tpu.yield
    }) : () -> ()
    return
  }
}

#map = affine_map<(d0, d1) -> (0, 0)>
#map1 = affine_map<(d0, d1) -> (0)>
module attributes {stable_mosaic.version = 14 : i64} {
  func.func @_sc_agg_scalar(%arg0: i32, %arg1: i32, %arg2: memref<32x10240xi32, #tpu.memory_space<hbm>>, %arg3: memref<32x10240xi32, #tpu.memory_space<hbm>>, %arg4: memref<10240xf32, #tpu.memory_space<hbm>>, %arg5: memref<32x10240xf32, #tpu.memory_space<hbm>>, %arg6: memref<10240xi32, #tpu.memory_space<vmem>>, %arg7: memref<10240xi32, #tpu.memory_space<vmem>>, %arg8: memref<10240xf32, #tpu.memory_space<vmem>>, %arg9: memref<10240xf32, #tpu.memory_space<vmem>>) attributes {dimension_semantics = [#tpu.dimension_semantics<core_parallel>, #tpu.dimension_semantics<subcore_parallel>], iteration_bounds = array<i64: 2, 16>, scalar_prefetch = 0 : i64, scratch_operands = 4 : i64, tpu.core_type = #tpu.core_type<sc_vector_subcore>, window_params = [{transform_indices = #map}, {transform_indices = #map}, {transform_indices = #map1}, {transform_indices = #map}]} {
    %mul3A = arith.constant 16 : i32
    %mul3A_0 = arith.muli %arg0, %mul3A : i32
    %add3A = arith.addi %mul3A_0, %arg1 : i32
    "tpu.region"() ({
      %run_scoped3A = tpu.sem_alloc : memref<!tpu.dma_semaphore, #tpu.memory_space<semaphore_mem>>
      %dma_start3A = arith.constant 0 : i32
      %dma_start3A_12 = tpu.memref_slice %arg2[%add3A, %dma_start3A] : memref<32x10240xi32, #tpu.memory_space<hbm>> -> memref<1x10240xi32, #tpu.memory_space<hbm>>
      %dma_start3A_13 = tpu.memref_squeeze %dma_start3A_12 : memref<1x10240xi32, #tpu.memory_space<hbm>> -> memref<10240xi32, #tpu.memory_space<hbm>>
      %dma_start3A_14 = arith.constant 0 : i32
      %dma_start3A_15 = tpu.memref_slice %arg2[%add3A, %dma_start3A_14] : memref<32x10240xi32, #tpu.memory_space<hbm>> -> memref<1x10240xi32, #tpu.memory_space<hbm>>
      %dma_start3A_16 = tpu.memref_squeeze %dma_start3A_15 : memref<1x10240xi32, #tpu.memory_space<hbm>> -> memref<10240xi32, #tpu.memory_space<hbm>>
      tpu.enqueue_dma source(%dma_start3A_16 : memref<10240xi32, #tpu.memory_space<hbm>>) target(%arg6 : memref<10240xi32, #tpu.memory_space<vmem>>) target_semaphore(%run_scoped3A : memref<!tpu.dma_semaphore, #tpu.memory_space<semaphore_mem>>)
      %dma_wait3A = arith.constant 0 : i32
      %dma_wait3A_17 = tpu.memref_slice %arg2[%add3A, %dma_wait3A] : memref<32x10240xi32, #tpu.memory_space<hbm>> -> memref<1x10240xi32, #tpu.memory_space<hbm>>
      %dma_wait3A_18 = tpu.memref_squeeze %dma_wait3A_17 : memref<1x10240xi32, #tpu.memory_space<hbm>> -> memref<10240xi32, #tpu.memory_space<hbm>>
      %dma_wait3A_19 = arith.constant 0 : i32
      %dma_wait3A_20 = tpu.memref_slice %arg2[%add3A, %dma_wait3A_19] : memref<32x10240xi32, #tpu.memory_space<hbm>> -> memref<1x10240xi32, #tpu.memory_space<hbm>>
      %dma_wait3A_21 = tpu.memref_squeeze %dma_wait3A_20 : memref<1x10240xi32, #tpu.memory_space<hbm>> -> memref<10240xi32, #tpu.memory_space<hbm>>
      tpu.wait_dma2 semaphore(%run_scoped3A : memref<!tpu.dma_semaphore, #tpu.memory_space<semaphore_mem>>) src(%dma_wait3A_21 : memref<10240xi32, #tpu.memory_space<hbm>>) dst(%arg6 : memref<10240xi32, #tpu.memory_space<vmem>>)
      tpu.yield
    }) : () -> ()
    "tpu.region"() ({
      %run_scoped3A = tpu.sem_alloc : memref<!tpu.dma_semaphore, #tpu.memory_space<semaphore_mem>>
      %dma_start3A = arith.constant 0 : i32
      %dma_start3A_12 = tpu.memref_slice %arg3[%add3A, %dma_start3A] : memref<32x10240xi32, #tpu.memory_space<hbm>> -> memref<1x10240xi32, #tpu.memory_space<hbm>>
      %dma_start3A_13 = tpu.memref_squeeze %dma_start3A_12 : memref<1x10240xi32, #tpu.memory_space<hbm>> -> memref<10240xi32, #tpu.memory_space<hbm>>
      %dma_start3A_14 = arith.constant 0 : i32
      %dma_start3A_15 = tpu.memref_slice %arg3[%add3A, %dma_start3A_14] : memref<32x10240xi32, #tpu.memory_space<hbm>> -> memref<1x10240xi32, #tpu.memory_space<hbm>>
      %dma_start3A_16 = tpu.memref_squeeze %dma_start3A_15 : memref<1x10240xi32, #tpu.memory_space<hbm>> -> memref<10240xi32, #tpu.memory_space<hbm>>
      tpu.enqueue_dma source(%dma_start3A_16 : memref<10240xi32, #tpu.memory_space<hbm>>) target(%arg7 : memref<10240xi32, #tpu.memory_space<vmem>>) target_semaphore(%run_scoped3A : memref<!tpu.dma_semaphore, #tpu.memory_space<semaphore_mem>>)
      %dma_wait3A = arith.constant 0 : i32
      %dma_wait3A_17 = tpu.memref_slice %arg3[%add3A, %dma_wait3A] : memref<32x10240xi32, #tpu.memory_space<hbm>> -> memref<1x10240xi32, #tpu.memory_space<hbm>>
      %dma_wait3A_18 = tpu.memref_squeeze %dma_wait3A_17 : memref<1x10240xi32, #tpu.memory_space<hbm>> -> memref<10240xi32, #tpu.memory_space<hbm>>
      %dma_wait3A_19 = arith.constant 0 : i32
      %dma_wait3A_20 = tpu.memref_slice %arg3[%add3A, %dma_wait3A_19] : memref<32x10240xi32, #tpu.memory_space<hbm>> -> memref<1x10240xi32, #tpu.memory_space<hbm>>
      %dma_wait3A_21 = tpu.memref_squeeze %dma_wait3A_20 : memref<1x10240xi32, #tpu.memory_space<hbm>> -> memref<10240xi32, #tpu.memory_space<hbm>>
      tpu.wait_dma2 semaphore(%run_scoped3A : memref<!tpu.dma_semaphore, #tpu.memory_space<semaphore_mem>>) src(%dma_wait3A_21 : memref<10240xi32, #tpu.memory_space<hbm>>) dst(%arg7 : memref<10240xi32, #tpu.memory_space<vmem>>)
      tpu.yield
    }) : () -> ()
    "tpu.region"() ({
      %run_scoped3A = tpu.sem_alloc : memref<!tpu.dma_semaphore, #tpu.memory_space<semaphore_mem>>
      tpu.enqueue_dma source(%arg4 : memref<10240xf32, #tpu.memory_space<hbm>>) target(%arg8 : memref<10240xf32, #tpu.memory_space<vmem>>) target_semaphore(%run_scoped3A : memref<!tpu.dma_semaphore, #tpu.memory_space<semaphore_mem>>)
      tpu.wait_dma2 semaphore(%run_scoped3A : memref<!tpu.dma_semaphore, #tpu.memory_space<semaphore_mem>>) src(%arg4 : memref<10240xf32, #tpu.memory_space<hbm>>) dst(%arg8 : memref<10240xf32, #tpu.memory_space<vmem>>)
      tpu.yield
    }) : () -> ()
    %scan3A = arith.constant 0 : i32
    %scan3A_1 = arith.constant 0 : i32
    %scan3A_2 = arith.constant 640 : i32
    %scan3A_3 = arith.addi %scan3A_1, %scan3A_2 : i32
    %scan3A_4 = arith.constant 1 : i32
    scf.for %scan3A_12 = %scan3A_1 to %scan3A_3 step %scan3A_4  : i32 {
      %broadcast_in_dim3A = arith.constant 0.000000e+00 : f32
      %broadcast_in_dim3A_13 = vector.broadcast %broadcast_in_dim3A : f32 to vector<16xf32>
      %mul3A_14 = arith.constant 16 : i32
      %mul3A_15 = arith.muli %scan3A_12, %mul3A_14 : i32
      %multiple_of3A = tpu.assume_multiple %mul3A_15, 16 : i32
      %swap3A = arith.index_cast %multiple_of3A : i32 to index
      %swap3A_16 = tpu.vector_load %arg9[%swap3A] {strides = array<i32>} : memref<10240xf32, #tpu.memory_space<vmem>>, vector<16xf32>,
      tpu.vector_store %arg9[%swap3A], %broadcast_in_dim3A_13 {strides = array<i32>} : memref<10240xf32, #tpu.memory_space<vmem>>, vector<16xf32>,
    }
    %scan3A_5 = arith.constant 640 : i32
    %scan3A_6 = arith.constant 0 : i32
    %scan3A_7 = arith.constant 0 : i32
    %scan3A_8 = arith.constant 640 : i32
    %scan3A_9 = arith.addi %scan3A_7, %scan3A_8 : i32
    %scan3A_10 = arith.constant 1 : i32
    scf.for %scan3A_12 = %scan3A_7 to %scan3A_9 step %scan3A_10  : i32 {
      %mul3A_13 = arith.constant 16 : i32
      %mul3A_14 = arith.muli %scan3A_12, %mul3A_13 : i32
      %multiple_of3A = tpu.assume_multiple %mul3A_14, 16 : i32
      %get3A = arith.index_cast %multiple_of3A : i32 to index
      %get3A_15 = tpu.vector_load %arg6[%get3A] {strides = array<i32>} : memref<10240xi32, #tpu.memory_space<vmem>>, vector<16xi32>,
      %get3A_16 = arith.index_cast %multiple_of3A : i32 to index
      %get3A_17 = tpu.vector_load %arg7[%get3A_16] {strides = array<i32>} : memref<10240xi32, #tpu.memory_space<vmem>>, vector<16xi32>,
      %gather3A = tpu.vector_load_idx %arg8[%get3A_15] : memref<10240xf32, #tpu.memory_space<vmem>>[vector<16xi32>], vector<16xf32>,
      tpu.vector_store_idx %arg9[%get3A_17], %gather3A {add = true} : memref<10240xf32, #tpu.memory_space<vmem>>[vector<16xi32>], vector<16xf32>,
    }
    %scan3A_11 = arith.constant 640 : i32
    "tpu.region"() ({
      %run_scoped3A = tpu.sem_alloc : memref<!tpu.dma_semaphore, #tpu.memory_space<semaphore_mem>>
      %dma_start3A = arith.constant 0 : i32
      %dma_start3A_12 = tpu.memref_slice %arg5[%add3A, %dma_start3A] : memref<32x10240xf32, #tpu.memory_space<hbm>> -> memref<1x10240xf32, #tpu.memory_space<hbm>>
      %dma_start3A_13 = tpu.memref_squeeze %dma_start3A_12 : memref<1x10240xf32, #tpu.memory_space<hbm>> -> memref<10240xf32, #tpu.memory_space<hbm>>
      %dma_start3A_14 = arith.constant 0 : i32
      %dma_start3A_15 = tpu.memref_slice %arg5[%add3A, %dma_start3A_14] : memref<32x10240xf32, #tpu.memory_space<hbm>> -> memref<1x10240xf32, #tpu.memory_space<hbm>>
      %dma_start3A_16 = tpu.memref_squeeze %dma_start3A_15 : memref<1x10240xf32, #tpu.memory_space<hbm>> -> memref<10240xf32, #tpu.memory_space<hbm>>
      tpu.enqueue_dma source(%arg9 : memref<10240xf32, #tpu.memory_space<vmem>>) target(%dma_start3A_16 : memref<10240xf32, #tpu.memory_space<hbm>>) target_semaphore(%run_scoped3A : memref<!tpu.dma_semaphore, #tpu.memory_space<semaphore_mem>>)
      %dma_wait3A = arith.constant 0 : i32
      %dma_wait3A_17 = tpu.memref_slice %arg5[%add3A, %dma_wait3A] : memref<32x10240xf32, #tpu.memory_space<hbm>> -> memref<1x10240xf32, #tpu.memory_space<hbm>>
      %dma_wait3A_18 = tpu.memref_squeeze %dma_wait3A_17 : memref<1x10240xf32, #tpu.memory_space<hbm>> -> memref<10240xf32, #tpu.memory_space<hbm>>
      %dma_wait3A_19 = arith.constant 0 : i32
      %dma_wait3A_20 = tpu.memref_slice %arg5[%add3A, %dma_wait3A_19] : memref<32x10240xf32, #tpu.memory_space<hbm>> -> memref<1x10240xf32, #tpu.memory_space<hbm>>
      %dma_wait3A_21 = tpu.memref_squeeze %dma_wait3A_20 : memref<1x10240xf32, #tpu.memory_space<hbm>> -> memref<10240xf32, #tpu.memory_space<hbm>>
      tpu.wait_dma2 semaphore(%run_scoped3A : memref<!tpu.dma_semaphore, #tpu.memory_space<semaphore_mem>>) src(%arg9 : memref<10240xf32, #tpu.memory_space<vmem>>) dst(%dma_wait3A_21 : memref<10240xf32, #tpu.memory_space<hbm>>)
      tpu.yield
    }) : () -> ()
    return
  }
}

module attributes {stable_mosaic.version = 14 : i64} {
  func.func @_tc1_body(%arg0: i32, %arg1: memref<32x2048xf32, #tpu.memory_space<vmem>>, %arg2: memref<2048x128xf32, #tpu.memory_space<vmem>>, %arg3: memref<128x128xf32, #tpu.memory_space<vmem>>, %arg4: memref<2048x128xf32, #tpu.memory_space<vmem>>, %arg5: memref<2048x1xf32, #tpu.memory_space<vmem>>) attributes {dimension_semantics = [#tpu.dimension_semantics<arbitrary>], iteration_bounds = array<i64: 5>, scalar_prefetch = 0 : i64, scratch_operands = 0 : i64, tpu.core_type = #tpu.core_type<tc>, window_params = [{transform_indices = @transform_0, window_bounds = array<i64: 32, 2048>}, {transform_indices = @transform_1, window_bounds = array<i64: 2048, 128>}, {pipeline_mode = #tpu.pipeline_mode<synchronous>, transform_indices = @transform_2, window_bounds = array<i64: 128, 128>}, {transform_indices = @transform_3, window_bounds = array<i64: 2048, 128>}, {transform_indices = @transform_4, window_bounds = array<i64: 2048, 1>}]} {
    %broadcast_in_dim3A = arith.constant 1.000000e+00 : f32
    %broadcast_in_dim3A_0 = vector.broadcast %broadcast_in_dim3A : f32 to vector<32x1xf32>
    %get3A = arith.constant 0 : index
    %get3A_1 = arith.constant 0 : index
    %get3A_2 = vector.load %arg1[%get3A, %get3A_1] : memref<32x2048xf32, #tpu.memory_space<vmem>>, vector<32x2048xf32>
    %dot_general3A = arith.constant dense<0.000000e+00> : vector<2048x1xf32>
    %dot_general3A_3 = tpu.matmul %get3A_2, %broadcast_in_dim3A_0, %dot_general3A {dimension_numbers = #tpu.dot_dimension_numbers<[0], [0], [1], [1], [0, 1, 1, 1], [], []>, precision = #tpu.contract_precision<fp32>, transpose_lhs_hint = false} : vector<32x2048xf32>, vector<32x1xf32>, vector<2048x1xf32> -> vector<2048x1xf32>
    %gt3A = arith.constant 0.000000e+00 : f32
    %gt3A_4 = vector.broadcast %gt3A : f32 to vector<2048x1xf32>
    %gt3A_5 = arith.cmpf ogt, %dot_general3A_3, %gt3A_4 : vector<2048x1xf32>
    %rsqrt3A = math.rsqrt %dot_general3A_3 : vector<2048x1xf32>
    %jit3A = arith.constant 0.000000e+00 : f32
    %broadcast_in_dim3A_6 = vector.broadcast %jit3A : f32 to vector<2048x1xf32>
    %select_n3A = arith.select %gt3A_5, %rsqrt3A, %broadcast_in_dim3A_6 : vector<2048x1xi1>, vector<2048x1xf32>
    %get3A_7 = arith.constant 0 : index
    %get3A_8 = arith.constant 0 : index
    %get3A_9 = vector.load %arg2[%get3A_7, %get3A_8] : memref<2048x128xf32, #tpu.memory_space<vmem>>, vector<2048x128xf32>
    %get3A_10 = arith.constant 0 : index
    %get3A_11 = arith.constant 0 : index
    %get3A_12 = vector.load %arg3[%get3A_10, %get3A_11] : memref<128x128xf32, #tpu.memory_space<vmem>>, vector<128x128xf32>
    %dot_general3A_13 = arith.constant dense<0.000000e+00> : vector<2048x128xf32>
    %dot_general3A_14 = tpu.matmul %get3A_9, %get3A_12, %dot_general3A_13 {dimension_numbers = #tpu.dot_dimension_numbers<[1], [0], [0], [1], [0, 0, 1, 1], [], []>, precision = #tpu.contract_precision<fp32>, transpose_lhs_hint = false} : vector<2048x128xf32>, vector<128x128xf32>, vector<2048x128xf32> -> vector<2048x128xf32>
    %mul3A = vector.broadcast %select_n3A : vector<2048x1xf32> to vector<2048x128xf32>
    %mul3A_15 = arith.mulf %dot_general3A_14, %mul3A : vector<2048x128xf32>
    %swap3A = arith.constant 0 : index
    %swap3A_16 = arith.constant 0 : index
    %swap3A_17 = vector.load %arg4[%swap3A, %swap3A_16] : memref<2048x128xf32, #tpu.memory_space<vmem>>, vector<2048x128xf32>
    tpu.vector_store %arg4[%swap3A, %swap3A_16], %mul3A_15 {strides = array<i32>} : memref<2048x128xf32, #tpu.memory_space<vmem>>, vector<2048x128xf32>,
    %swap3A_18 = arith.constant 0 : index
    %swap3A_19 = arith.constant 0 : index
    %swap3A_20 = vector.load %arg5[%swap3A_18, %swap3A_19] : memref<2048x1xf32, #tpu.memory_space<vmem>>, vector<2048x1xf32>
    tpu.vector_store %arg5[%swap3A_18, %swap3A_19], %select_n3A {strides = array<i32>} : memref<2048x1xf32, #tpu.memory_space<vmem>>, vector<2048x1xf32>,
    return
  }
  func.func @transform_0(%arg0: i32) -> (i32, i32) {
    %c0_i32 = arith.constant 0 : i32
    %c0_i32_0 = arith.constant 0 : i32
    return %c0_i32, %arg0 : i32, i32
  }
  func.func @transform_1(%arg0: i32) -> (i32, i32) {
    %c0_i32 = arith.constant 0 : i32
    %c0_i32_0 = arith.constant 0 : i32
    return %arg0, %c0_i32 : i32, i32
  }
  func.func @transform_2(%arg0: i32) -> (i32, i32) {
    %c0_i32 = arith.constant 0 : i32
    %c0_i32_0 = arith.constant 0 : i32
    %c0_i32_1 = arith.constant 0 : i32
    return %c0_i32, %c0_i32_0 : i32, i32
  }
  func.func @transform_3(%arg0: i32) -> (i32, i32) {
    %c0_i32 = arith.constant 0 : i32
    %c0_i32_0 = arith.constant 0 : i32
    return %arg0, %c0_i32 : i32, i32
  }
  func.func @transform_4(%arg0: i32) -> (i32, i32) {
    %c0_i32 = arith.constant 0 : i32
    %c0_i32_0 = arith.constant 0 : i32
    return %arg0, %c0_i32 : i32, i32
  }
}

module attributes {stable_mosaic.version = 14 : i64} {
  func.func @_tc2_body(%arg0: i32, %arg1: memref<2048x128xf32, #tpu.memory_space<vmem>>, %arg2: memref<2048x128xf32, #tpu.memory_space<vmem>>, %arg3: memref<2048x128xf32, #tpu.memory_space<vmem>>, %arg4: memref<2048x1xf32, #tpu.memory_space<vmem>>, %arg5: memref<1x128xf32, #tpu.memory_space<vmem>>, %arg6: memref<128x1xf32, #tpu.memory_space<vmem>>, %arg7: memref<2048x1xf32, #tpu.memory_space<vmem>>) attributes {dimension_semantics = [#tpu.dimension_semantics<arbitrary>], iteration_bounds = array<i64: 5>, scalar_prefetch = 0 : i64, scratch_operands = 0 : i64, tpu.core_type = #tpu.core_type<tc>, window_params = [{transform_indices = @transform_0, window_bounds = array<i64: 2048, 128>}, {transform_indices = @transform_1, window_bounds = array<i64: 2048, 128>}, {transform_indices = @transform_2, window_bounds = array<i64: 2048, 128>}, {transform_indices = @transform_3, window_bounds = array<i64: 2048, 1>}, {pipeline_mode = #tpu.pipeline_mode<synchronous>, transform_indices = @transform_4, window_bounds = array<i64: 1, 128>}, {pipeline_mode = #tpu.pipeline_mode<synchronous>, transform_indices = @transform_5, window_bounds = array<i64: 128, 1>}, {transform_indices = @transform_6, window_bounds = array<i64: 2048, 1>}]} {
    %get3A = arith.constant 0 : index
    %get3A_0 = arith.constant 0 : index
    %get3A_1 = vector.load %arg4[%get3A, %get3A_0] : memref<2048x1xf32, #tpu.memory_space<vmem>>, vector<2048x1xf32>
    %get3A_2 = arith.constant 0 : index
    %get3A_3 = arith.constant 0 : index
    %get3A_4 = vector.load %arg1[%get3A_2, %get3A_3] : memref<2048x128xf32, #tpu.memory_space<vmem>>, vector<2048x128xf32>
    %get3A_5 = arith.constant 0 : index
    %get3A_6 = arith.constant 0 : index
    %get3A_7 = vector.load %arg2[%get3A_5, %get3A_6] : memref<2048x128xf32, #tpu.memory_space<vmem>>, vector<2048x128xf32>
    %add3A = arith.addf %get3A_4, %get3A_7 : vector<2048x128xf32>
    %get3A_8 = arith.constant 0 : index
    %get3A_9 = arith.constant 0 : index
    %get3A_10 = vector.load %arg3[%get3A_8, %get3A_9] : memref<2048x128xf32, #tpu.memory_space<vmem>>, vector<2048x128xf32>
    %add3A_11 = arith.addf %add3A, %get3A_10 : vector<2048x128xf32>
    %mul3A = vector.broadcast %get3A_1 : vector<2048x1xf32> to vector<2048x128xf32>
    %mul3A_12 = arith.mulf %mul3A, %add3A_11 : vector<2048x128xf32>
    %get3A_13 = arith.constant 0 : index
    %get3A_14 = arith.constant 0 : index
    %get3A_15 = vector.load %arg5[%get3A_13, %get3A_14] : memref<1x128xf32, #tpu.memory_space<vmem>>, vector<1x128xf32>
    %add3A_16 = vector.broadcast %get3A_15 : vector<1x128xf32> to vector<2048x128xf32>
    %add3A_17 = arith.addf %mul3A_12, %add3A_16 : vector<2048x128xf32>
    %max3A = arith.constant 0.000000e+00 : f32
    %max3A_18 = vector.broadcast %max3A : f32 to vector<2048x128xf32>
    %max3A_19 = arith.maximumf %add3A_17, %max3A_18 : vector<2048x128xf32>
    %get3A_20 = arith.constant 0 : index
    %get3A_21 = arith.constant 0 : index
    %get3A_22 = vector.load %arg6[%get3A_20, %get3A_21] : memref<128x1xf32, #tpu.memory_space<vmem>>, vector<128x1xf32>
    %dot_general3A = arith.constant dense<0.000000e+00> : vector<2048x1xf32>
    %dot_general3A_23 = tpu.matmul %max3A_19, %get3A_22, %dot_general3A {dimension_numbers = #tpu.dot_dimension_numbers<[1], [0], [0], [1], [0, 0, 1, 1], [], []>, precision = #tpu.contract_precision<fp32>, transpose_lhs_hint = false} : vector<2048x128xf32>, vector<128x1xf32>, vector<2048x1xf32> -> vector<2048x1xf32>
    %mul3A_24 = arith.mulf %dot_general3A_23, %get3A_1 : vector<2048x1xf32>
    %swap3A = arith.constant 0 : index
    %swap3A_25 = arith.constant 0 : index
    %swap3A_26 = vector.load %arg7[%swap3A, %swap3A_25] : memref<2048x1xf32, #tpu.memory_space<vmem>>, vector<2048x1xf32>
    tpu.vector_store %arg7[%swap3A, %swap3A_25], %mul3A_24 {strides = array<i32>} : memref<2048x1xf32, #tpu.memory_space<vmem>>, vector<2048x1xf32>,
    return
  }
  func.func @transform_0(%arg0: i32) -> (i32, i32) {
    %c0_i32 = arith.constant 0 : i32
    %c0_i32_0 = arith.constant 0 : i32
    return %arg0, %c0_i32 : i32, i32
  }
  func.func @transform_1(%arg0: i32) -> (i32, i32) {
    %c0_i32 = arith.constant 0 : i32
    %c0_i32_0 = arith.constant 0 : i32
    return %arg0, %c0_i32 : i32, i32
  }
  func.func @transform_2(%arg0: i32) -> (i32, i32) {
    %c0_i32 = arith.constant 0 : i32
    %c0_i32_0 = arith.constant 0 : i32
    return %arg0, %c0_i32 : i32, i32
  }
  func.func @transform_3(%arg0: i32) -> (i32, i32) {
    %c0_i32 = arith.constant 0 : i32
    %c0_i32_0 = arith.constant 0 : i32
    return %arg0, %c0_i32 : i32, i32
  }
  func.func @transform_4(%arg0: i32) -> (i32, i32) {
    %c0_i32 = arith.constant 0 : i32
    %c0_i32_0 = arith.constant 0 : i32
    %c0_i32_1 = arith.constant 0 : i32
    return %c0_i32, %c0_i32_0 : i32, i32
  }
  func.func @transform_5(%arg0: i32) -> (i32, i32) {
    %c0_i32 = arith.constant 0 : i32
    %c0_i32_0 = arith.constant 0 : i32
    %c0_i32_1 = arith.constant 0 : i32
    return %c0_i32, %c0_i32_0 : i32, i32
  }
  func.func @transform_6(%arg0: i32) -> (i32, i32) {
    %c0_i32 = arith.constant 0 : i32
    %c0_i32_0 = arith.constant 0 : i32
    return %arg0, %c0_i32 : i32, i32
  }
}

module attributes {stable_mosaic.version = 14 : i64} {
  func.func @_tc3_body(%arg0: i32, %arg1: memref<32x2048xf32, #tpu.memory_space<vmem>>, %arg2: memref<2048x1xf32, #tpu.memory_space<vmem>>, %arg3: memref<2048x1xf32, #tpu.memory_space<vmem>>, %arg4: memref<1x1xf32, #tpu.memory_space<vmem>>, %arg5: memref<2048x1xf32, #tpu.memory_space<vmem>>) attributes {dimension_semantics = [#tpu.dimension_semantics<arbitrary>], iteration_bounds = array<i64: 5>, scalar_prefetch = 0 : i64, scratch_operands = 0 : i64, tpu.core_type = #tpu.core_type<tc>, window_params = [{transform_indices = @transform_0, window_bounds = array<i64: 32, 2048>}, {transform_indices = @transform_1, window_bounds = array<i64: 2048, 1>}, {transform_indices = @transform_2, window_bounds = array<i64: 2048, 1>}, {pipeline_mode = #tpu.pipeline_mode<synchronous>, transform_indices = @transform_3, window_bounds = array<i64: 1, 1>}, {transform_indices = @transform_4, window_bounds = array<i64: 2048, 1>}]} {
    %broadcast_in_dim3A = arith.constant 1.000000e+00 : f32
    %broadcast_in_dim3A_0 = vector.broadcast %broadcast_in_dim3A : f32 to vector<32x1xf32>
    %get3A = arith.constant 0 : index
    %get3A_1 = arith.constant 0 : index
    %get3A_2 = vector.load %arg1[%get3A, %get3A_1] : memref<32x2048xf32, #tpu.memory_space<vmem>>, vector<32x2048xf32>
    %dot_general3A = arith.constant dense<0.000000e+00> : vector<2048x1xf32>
    %dot_general3A_3 = tpu.matmul %get3A_2, %broadcast_in_dim3A_0, %dot_general3A {dimension_numbers = #tpu.dot_dimension_numbers<[0], [0], [1], [1], [0, 1, 1, 1], [], []>, precision = #tpu.contract_precision<fp32>, transpose_lhs_hint = false} : vector<32x2048xf32>, vector<32x1xf32>, vector<2048x1xf32> -> vector<2048x1xf32>
    %get3A_4 = arith.constant 0 : index
    %get3A_5 = arith.constant 0 : index
    %get3A_6 = vector.load %arg3[%get3A_4, %get3A_5] : memref<2048x1xf32, #tpu.memory_space<vmem>>, vector<2048x1xf32>
    %get3A_7 = arith.constant 0 : index
    %get3A_8 = arith.constant 0 : index
    %get3A_9 = vector.load %arg2[%get3A_7, %get3A_8] : memref<2048x1xf32, #tpu.memory_space<vmem>>, vector<2048x1xf32>
    %add3A = arith.addf %dot_general3A_3, %get3A_9 : vector<2048x1xf32>
    %mul3A = arith.mulf %get3A_6, %add3A : vector<2048x1xf32>
    %get3A_10 = arith.constant 0 : index
    %get3A_11 = arith.constant 0 : index
    %get3A_12 = vector.load %arg4[%get3A_10, %get3A_11] : memref<1x1xf32, #tpu.memory_space<vmem>>, vector<1x1xf32>
    %add3A_13 = vector.broadcast %get3A_12 : vector<1x1xf32> to vector<2048x1xf32>
    %add3A_14 = arith.addf %mul3A, %add3A_13 : vector<2048x1xf32>
    %neg3A = arith.constant 0.000000e+00 : f32
    %neg3A_15 = vector.broadcast %neg3A : f32 to vector<2048x1xf32>
    %neg3A_16 = arith.subf %neg3A_15, %add3A_14 : vector<2048x1xf32>
    %exp3A = math.exp %neg3A_16 : vector<2048x1xf32>
    %add3A_17 = arith.constant 1.000000e+00 : f32
    %add3A_18 = vector.broadcast %add3A_17 : f32 to vector<2048x1xf32>
    %add3A_19 = arith.addf %add3A_18, %exp3A : vector<2048x1xf32>
    %div3A = arith.constant 1.000000e+00 : f32
    %div3A_20 = vector.broadcast %div3A : f32 to vector<2048x1xf32>
    %div3A_21 = arith.divf %div3A_20, %add3A_19 : vector<2048x1xf32>
    %swap3A = arith.constant 0 : index
    %swap3A_22 = arith.constant 0 : index
    %swap3A_23 = vector.load %arg5[%swap3A, %swap3A_22] : memref<2048x1xf32, #tpu.memory_space<vmem>>, vector<2048x1xf32>
    tpu.vector_store %arg5[%swap3A, %swap3A_22], %div3A_21 {strides = array<i32>} : memref<2048x1xf32, #tpu.memory_space<vmem>>, vector<2048x1xf32>,
    return
  }
  func.func @transform_0(%arg0: i32) -> (i32, i32) {
    %c0_i32 = arith.constant 0 : i32
    %c0_i32_0 = arith.constant 0 : i32
    return %c0_i32, %arg0 : i32, i32
  }
  func.func @transform_1(%arg0: i32) -> (i32, i32) {
    %c0_i32 = arith.constant 0 : i32
    %c0_i32_0 = arith.constant 0 : i32
    return %arg0, %c0_i32 : i32, i32
  }
  func.func @transform_2(%arg0: i32) -> (i32, i32) {
    %c0_i32 = arith.constant 0 : i32
    %c0_i32_0 = arith.constant 0 : i32
    return %arg0, %c0_i32 : i32, i32
  }
  func.func @transform_3(%arg0: i32) -> (i32, i32) {
    %c0_i32 = arith.constant 0 : i32
    %c0_i32_0 = arith.constant 0 : i32
    %c0_i32_1 = arith.constant 0 : i32
    return %c0_i32, %c0_i32_0 : i32, i32
  }
  func.func @transform_4(%arg0: i32) -> (i32, i32) {
    %c0_i32 = arith.constant 0 : i32
    %c0_i32_0 = arith.constant 0 : i32
    return %arg0, %c0_i32 : i32, i32
  }
}

</mosaic_0001>

<sc_bundles>
// kernel: kernel.11.cloned.1.call-start
scs
__scs_entry_jumppad:
0x0: {  	(pc) =	sbr.rel $0x88, $3  }
0x1: {  	(tag) =	ssettag $0x0;
	lr =	simm.s32 $0x1  }
0x2: {  	[smem:$0x3F9B] =	sst lr;
	_ =	strace $0xD0000000  }
0x3: {  	_ = 	snop  }
0x4: {  	_ = 	snop  }
0x5: {  	_ = 	snop  }
0x6: {  	_ = 	snop  }
0x7: {  	_ = 	snop  }
__scs_overlays_trampoline_lowered:
0x8: {  	[smem:$0x3FAA] =	sst s0  }
0x9: {  	[smem:$0x3FAB] =	sst s1  }
0xa: {  	[smem:$0x3FAC] =	sst s2  }
0xb: {  	[smem:$0x3FAD] =	sst s3  }
0xc: {  	[smem:$0x3FAE] =	sst s4  }
0xd: {  	[smem:$0x3FAF] =	sst s5  }
0xe: {  	[smem:$0x3FB0] =	sst s6  }
0xf: {  	[smem:$0x3FB1] =	sst s7  }
0x10: {  	[smem:$0x3FB2] =	sst s8  }
0x11: {  	[smem:$0x3FB3] =	sst s9;
	s0 =	simm.s32 @!p0 $0x0  }
0x12: {  	s1 =	sld [smem:$0x3F99];
	s0 =	simm.s32 @p0 $0x1  }
0x13: {  	[smem:$0x3FB4] =	sst s0;
	s0 =	simm.s32 @!p1 $0x0  }
0x14: {  	s2 =	sld [smem:$0x3F98];
	s0 =	simm.s32 @p1 $0x1  }
0x15: {  	[smem:$0x3FB5] =	sst s0;
	s0 =	simm.s32 @!p2 $0x0  }
0x16: {  	s3 =	sld [smem:$0x3FDB];
	s0 =	simm.s32 @p2 $0x1  }
0x17: {  	s4 =	simm.s32 $0x1BF5;
	[smem:$0x3FB7] =	sst s0  }
0x18: {  	s0 =	sld [smem:$0x3F9A];
	_ =	swait.ge [sflag:s4], $0x0  }
0x19: {  	s7 =	sld [smem:$0x3F9B]  }
0x1a: {  	s8 =	sadd.s32 $0xFFFFE003, lr  }
0x1b: {  	s9 =	sadd.s32 $0xFFFFFEF7, lr;
	s5 =	simm.s32 $0xFFFFFFFF;
	p2 =	slt.u32 s8, $0xFFFFF086  }
0x1c: {  	p1 =	slt.u32 s9, $0xF7A;
	s5 =	simm.s32 @!p2 $0x0  }
0x1d: {  	s5 =	simm.s32 @p1 $0x1;
	p0 =	seq.s32 s7, s2  }
0x1e: {  	s7 =	smul.u32 @!p0 $0xF7A, s2;
	p2 =	seq.s32 @!p0 s5, $0x0  }
0x1f: {  	s9 =	smul.u32 $0xF7A, s1;
	s8 =	simm.s32 @!p0 $0x1BF5;
	p2 =	por !p2, p0  }
0x20: {  	[sflag:s8] =	ssyncset.s32 @!p0 $0xFFFFF086;
	s6 =	sadd.s32 @!p0 s3, s7;
	s7 =	simm.s32 @!p0 $0x108  }
0x21: {  	s3 =	sadd.s32 s3, s9;
	s6 =	sadd.s32 @!p0 $0x88, s6;
	s7 =	simm.s32 @p2 $0x1082  }
0x22: {  	[simem:s7], [sflag:s8] =	dma.local @!p0 [hbm:s6], $0xF7A  }
0x23: {  	s9 =	sor.u32 $0xD0000000, s2;
	s6 =	simm.s32 $0x108;
	_ =	swait.ge @!p0 [sflag:s8], $0x0  }
0x24: {  	s3 =	sadd.s32 $0x88, s3;
	s6 =	simm.s32 @!p1 $0x1082;
	[sflag:s4] =	ssyncset.s32 $0xFFFFF086  }
0x25: {  	[simem:s6], [sflag:s4] =	dma.local [hbm:s3], $0xF7A  }
0x26: {  	[smem:$0x3F9B] =	sst s1;
	(tag) =	ssettag s2;
	_ =	strace s9  }
0x27: {  	s1 =	sld [smem:$0x3FAB]  }
0x28: {  	s2 =	sld [smem:$0x3FAC]  }
0x29: {  	s4 =	sld [smem:$0x3FAE]  }
0x2a: {  	p0 =	seq.s32 s5, $0x0;
	s5 =	sld [smem:$0x3FAF]  }
0x2b: {  	s6 =	sld [smem:$0x3FB0]  }
0x2c: {  	s7 =	sld [smem:$0x3FB1]  }
0x2d: {  	s3 =	simm.s32 $0x108;
	s8 =	sld [smem:$0x3FB2]  }
0x2e: {  	s3 =	simm.s32 @!p0 $0x1082;
	s9 =	sld [smem:$0x3FB3]  }
0x2f: {  	lr =	sadd.s32 s0, s3;
	s0 =	sld [smem:$0x3FAA]  }
0x30: {  	s3 =	sld [smem:$0x3FAD]  }
0x31: {  	[smem:$0x3FB6] =	sst s10  }
0x32: {  	s10 =	sld [smem:$0x3FB4];
	_ =	sdelay $0x3  }
0x33: {  	p0 =	seq.s32 s10, $0x1;
	s10 =	sld [smem:$0x3FB6];
	_ =	sdelay $0x3  }
0x34: {  	[smem:$0x3FB6] =	sst s10  }
0x35: {  	s10 =	sld [smem:$0x3FB5];
	_ =	sdelay $0x3  }
0x36: {  	p1 =	seq.s32 s10, $0x1;
	s10 =	sld [smem:$0x3FB6];
	_ =	sdelay $0x3  }
0x37: {  	[smem:$0x3FB6] =	sst s10  }
0x38: {  	s10 =	sld [smem:$0x3FB7]  }
0x39: {  	_ = 	snop;
	(pc) =	sbr.ind lr, $3  }
0x3a: {  	_ = 	snop  }
0x3b: {  	_ = 	snop  }
0x3c: {  	p2 =	seq.s32 s10, $0x1;
	s10 =	sld [smem:$0x3FB6]  }
0x3d: {  	_ =	shalt  }
0x3e: {  	_ =	shalt  }
0x3f: {  	_ =	shalt  }
0x40: {  	_ =	shalt  }
0x41: {  	_ =	shalt  }
0x42: {  	_ =	shalt  }
0x43: {  	_ =	shalt  }
0x44: {  	_ =	shalt  }
0x45: {  	_ =	shalt  }
0x46: {  	_ =	shalt  }
0x47: {  	_ =	shalt  }
0x48: {  	_ =	shalt  }
0x49: {  	_ =	shalt  }
0x4a: {  	_ =	shalt  }
0x4b: {  	_ =	shalt  }
0x4c: {  	_ =	shalt  }
0x4d: {  	_ =	shalt  }
0x4e: {  	_ =	shalt  }
0x4f: {  	_ =	shalt  }
0x50: {  	_ =	shalt  }
0x51: {  	_ =	shalt  }
0x52: {  	_ =	shalt  }
0x53: {  	_ =	shalt  }
0x54: {  	_ =	shalt  }
0x55: {  	_ =	shalt  }
0x56: {  	_ =	shalt  }
0x57: {  	_ =	shalt  }
0x58: {  	_ =	shalt  }
0x59: {  	_ =	shalt  }
0x5a: {  	_ =	shalt  }
0x5b: {  	_ =	shalt  }
0x5c: {  	_ =	shalt  }
0x5d: {  	_ =	shalt  }
0x5e: {  	_ =	shalt  }
0x5f: {  	_ =	shalt  }
0x60: {  	_ =	shalt  }
0x61: {  	_ =	shalt  }
0x62: {  	_ =	shalt  }
0x63: {  	_ =	shalt  }
0x64: {  	_ =	shalt  }
0x65: {  	_ =	shalt  }
0x66: {  	_ =	shalt  }
0x67: {  	_ =	shalt  }
0x68: {  	_ =	shalt  }
0x69: {  	_ =	shalt  }
0x6a: {  	_ =	shalt  }
0x6b: {  	_ =	shalt  }
0x6c: {  	_ =	shalt  }
0x6d: {  	_ =	shalt  }
0x6e: {  	_ =	shalt  }
0x6f: {  	_ =	shalt  }
0x70: {  	_ =	shalt  }
0x71: {  	_ =	shalt  }
0x72: {  	_ =	shalt  }
0x73: {  	_ =	shalt  }
0x74: {  	_ =	shalt  }
0x75: {  	_ =	shalt  }
0x76: {  	_ =	shalt  }
0x77: {  	_ =	shalt  }
0x78: {  	_ =	shalt  }
0x79: {  	_ =	shalt  }
0x7a: {  	_ =	shalt  }
0x7b: {  	_ =	shalt  }
0x7c: {  	_ =	shalt  }
0x7d: {  	_ =	shalt  }
0x7e: {  	_ =	shalt  }
0x7f: {  	_ =	shalt  }
0x80: {  	_ =	shalt  }
0x81: {  	_ =	shalt  }
0x82: {  	_ =	shalt  }
0x83: {  	_ =	shalt  }
0x84: {  	_ =	shalt  }
0x85: {  	_ =	shalt  }
0x86: {  	_ =	shalt  }
0x87: {  	_ =	shalt  }
.Lfunc_end0:
.L_simem_size_0:
called_computation.1_lowered:
.L_overlay_start_0:
0x88: {  	s2 =	sld [smem:$0x3FD9]  }
0x89: {  	s3 =	sld [smem:$0x3FFE];
	_ =	sdelay $0x1  }
0x8a: {  	s1 =	srdreg.scid  }
0x8b: {  	s0 =	sand.u32 $0x1, s1  }
0x8c: {  	s16 =	sshll.u32 s0, $0xA;
	s2 =	sadd.s32 s3, s2  }
0x8d: {  	s2 =	sadd.s32 s2, s16  }
0x8e: {  	[smem:$0x3FC2] =	sst s2  }
0x8f: {  	_ = 	snop  }
0x90: {  	(tm) =	ssettm $0x1  }
0x91: {  	s17 =	sld [smem:$0x3FFB];
	_ =	sdelay $0x3  }
0x92: {  	_ =	strace s17  }
0x93: {  	s2 =	sld [smem:$0x3FFC];
	_ =	sdelay $0x3  }
0x94: {  	_ =	strace s2  }
0x95: {  	s2 =	sld [smem:$0x3FFD];
	_ =	sdelay $0x3  }
0x96: {  	_ =	strace s2  }
0x97: {  	_ =	strace $0x8FFFFFFF  }
0x98: {  	s18 =	sld [smem:$0x3FDB];
	_ =	sdelay $0x1  }
0x99: {  	s19 =	simm.s32 $_scs_section_size  }
0x9a: {  	s4 =	simm.s32 $_size__tile_overlayer_lowered;
	s5 =	simm.s32 $_tile_overlayer_lowered  }
0x9b: {  	s22 =	simm.s32 $0x1BFF;
	s21 =	sshll.u32 s5, $0x1;
	s2 =	sadd.s32 s19, s18  }
0x9c: {  	s6 =	simm.s32 $0x0;
	s20 =	sshll.u32 s4, $0x1;
	s4 =	sadd.s32 s21, s2  }
0x9d: {  	[timem:s6], [sflag:s22] =	dma.local [hbm:s4], s20  }
0x9e: {  	_ =	swait.ge [sflag:s22], s20  }
0x9f: {  	s3 =	ssub.s32 $0x0, s20;
	[sflag:s22] =	ssyncset.done $0x0  }
0xa0: {  	[sflag:s22] =	ssyncadd.s32 s3;
	_ =	sdelay $0x1  }
0xa1: {  	s23 =	simm.s32 $0x1B8B  }
0xa2: {  	_ =	swait.ge [sflag:s23], $0x1  }
0xa3: {  	[sflag:s23] =	ssyncset.done $0x0  }
0xa4: {  	s25 =	simm.s32 $0x1B8E;
	s24 =	sld [smem:$0x3FFE];
	[sflag:s23] =	ssyncadd.s32 $0xFFFFFFFF  }
0xa5: {  	s26 =	simm.s32 $execute0_lowered;
	[smem:$0x3FD2] =	sst s25  }
0xa6: {  	s4 =	sshll.u32 s26, $0x1;
	_ =	strace $0x80000049;
	[dreg:$0x1] =	wrdreg $0xFFFFFFFF  }
0xa7: {  	s28 =	simm.s32 $_size_execute0_lowered;
	s2 =	sadd.s32 s2, s4;
	[dreg:$0x0] =	wrdreg $0x0  }
0xa8: {  	s4 =	sshll.u32 s28, $0x1;
	[dreg:$0x2] =	wrdreg s2  }
0xa9: {  	[dreg:$0x3] =	wrdreg s4  }
0xaa: {  	[dreg:$0x4] =	wrdreg $0xC0  }
0xab: {  	_ =	task [dreg:s6], $0x5FFFF  }
0xac: {  	[dreg:$0x1] =	wrdreg $0xFFFFFFFF  }
0xad: {  	[dreg:$0x0] =	wrdreg $0x60  }
0xae: {  	[dreg:$0x2] =	wrdreg s24  }
0xaf: {  	[dreg:$0x3] =	wrdreg $0x68000  }
0xb0: {  	[dreg:$0x4] =	wrdreg $0x9  }
0xb1: {  	_ =	task.clear_ibuf [dreg:s6], $0x5FFFF;
	_ =	strace $0x90000049  }
0xb2: {  	s29 =	simm.s32 $0x9;
	_ =	strace $0x8000004B  }
0xb3: {  	_ =	swait.ge [sflag:s29], $0x1  }
0xb4: {  	[sflag:s29] =	ssyncadd.s32 $0xFFFFFFFF  }
0xb5: {  	_ =	strace $0x9000004B  }
0xb6: {  	_ =	sfence  }
0xb7: {  	s30 =	sld [smem:$0x0];
	_ =	sdelay $0x2  }
0xb8: {  	s31 =	sshll.u32 s1, $0xD;
	s1 =	sshrl.u32 s1, $0x2  }
0xb9: {  	s3 =	sand.u32 $0x4000, s31;
	s1 =	sadd.s32 s1, s30  }
0xba: {  	s0 =	sor.u32 s3, s0;
	s1 =	sshll.u32 s1, $0x11  }
0xbb: {  	s0 =	sor.u32 s1, s0  }
0xbc: {  	s0 =	sadd.s32 $0x8F2B, s0  }
0xbd: {  	[sflag:s0] =	ssyncadd.remote.s32 $0x1  }
0xbe: {  	_ =	sfence.sel $0xFFFF  }
0xbf: {  	[dreg:$0x0] =	wrdreg $0xFFFFFFFF;
	(pc) =	sbr.abs _section_cstart, $3  }
0xc0: {  	[dreg:$0x1] =	wrdreg $0xFFFFFFFF  }
0xc1: {  	_ =	task.clear_ibuf [dreg:s6], $0x2FFFF;
	_ =	strace $0x9FFFFFFF  }
0xc2: {  	(tm) =	ssettm $0x7FFFFFFF  }
0xc3: {  	_ =	shalt  }
tec
execute0_lowered:
.L_overlay_start_1:
0x0: {  	(tag) =	ssettag $0x1  }
0x1: {  	s5 =	rddreg [dreg:$0x0]  }
0x2: {  	s2 =	rddreg [dreg:$0x1]  }
0x3: {  	s0 =	rddreg [dreg:$0x2];
	s3 =	simm.s32 $0x0;
	s1 =	stileid.u32  }
0x4: {  	s4 =	srdreg.scid;
	s17 =	simm.s32 $0x1400;
	s6 =	smul.u32 $0x14000, s1  }
0x5: {  	s18 =	simm.s32 $0x80;
	s19 =	simm.s32 $0x2800;
	s9 =	smul.u32 $0x50000, s1  }
0x6: {  	s20 =	simm.s32 $0x1;
	[smem:$0x7FF] =	sst s3;
	s13 =	smul.u32 $0x3, s1  }
0x7: {  	s21 =	sand.u32 $0x1, s4;
	s4 =	sadd.s32 $0x2AC00, s5;
	s28 =	smul.u32 $0x3C00, s1  }
0x8: {  	s11 =	sadd.s32 $0x20C00, s5;
	s12 =	sadd.s32 $0x2C00, s5;
	s30 =	smul.u32 $0x780, s1  }
0x9: {  	s29 =	sshll.u32 s1, $0x6;
	_ =	strace $0x8000004A;
	s8 =	smul.u32 $0x140000, s21  }
0xa: {  	s25 =	ssub.s32 $0x2, s21;
	p0 =	seq.s32 s21, $0x0;
	s7 =	sshrl.u32 s6, $0x3  }
0xb: {  	s10 =	sshrl.u32 s25, $0x1;
	s26 =	sshrl.u32 s9, $0x2;
	s6 =	sadd.s32 s6, s8  }
0xc: {  	s9 =	sshrl.u32 s28, $0x3;
	s7 =	sadd.s32 s7, s5;
	s6 =	sshrl.u32 s6, $0x3  }
0xd: {  	s8 =	stileid.u32;
	s14 =	sadd.s32 s6, s5;
	s6 =	sadd.s32 $0x10, s13  }
0xe: {  	s15 =	ssub.s32 s25, s10;
	s31 =	sadd.s32 $0x2A80, s9;
	s8 =	smov.u32 @p0 s6  }
0xf: {  	s16 =	sadd.s32 s26, s2;
	s9 =	sadd.s32 s11, s31;
	s8 =	smul.u32 $0x280, s8  }
.Ltmp0:
0x10: {  	s10 =	sadd.s32 s12, s31;
	s5 =	sadd.s32 $0x7AC00, s7;
	(pc) =	sbr.rel .LBB2_1-.Ltmp0, $4  }
0x11: {  	s13 =	sadd.s32 $0x2D00, s30;
	s6 =	sor.u32 $0x1C02, s29;
	p0 =	sne.s32 s21, $0x0  }
0x12: {  	s21 =	simm.s32 $0x0;
	s7 =	sadd.s32 s11, s8;
	s8 =	sadd.s32 s12, s8  }
0x13: {  	s11 =	sadd.s32 s11, s13;
	s12 =	sadd.s32 s12, s13;
	s13 =	sadd.s32 $0xA2C00, s14  }
0x14: {  	s14 =	smax.u32 s15, $0x1;
	s15 =	sshrl.u32 s16, $0x3;
	s16 =	simm.s32 $0x2  }
.LBB2_8:
0x15: {  	s22 =	sshra.s32 s22, $0x2;
	[sflag:s16] =	ssyncadd.s32 $0xFFFFC000  }
0x16: {  	[tilespmem:s19], [sflag:$0x1] =	stream.indirect.gather [hbm4b:s4+s18], $0x80, s22, s18, $0xb8;
	[tilespmem:$0x1A800] =	vst v63  }
0x17: {  	_ =	swait.ge [sflag:s20], $0x4000  }
0x18: {  	[sflag:s20] =	ssyncset.done $0x0  }
0x19: {  	s22 =	sadd.s32 $0x1400, s22;
	[sflag:s20] =	ssyncadd.s32 $0xFFFFC000  }
0x1a: {  	[spmem:s2] =	stream.indirect.scatter.add.f32 [tilespmem:s19], [sflag:$0x2], $0x80, s22, s18, $0xb8;
	[tilespmem:$0x1A800] =	vst v63  }
0x1b: {  	_ =	swait.ge [sflag:s16], $0x4000  }
0x1c: {  	[sflag:s16] =	ssyncset.done $0x0  }
0x1d: {  	[sflag:s16] =	ssyncadd.s32 $0xFFFFC000  }
.LBB2_9:
0x1e: {  	s21 =	sadd.s32 $0x1, s21  }
0x1f: {  	p1 =	sne.s32 s21, s14  }
.Ltmp1:
0x20: {  	[bflag:$0x0] =	sbarrier.arrive $0xFFFF;
	(pc) =	sbr.rel @!p1 .LBB2_10-.Ltmp1, $4  }
0x21: {  	[hbm:s13], [sflag:s6] =	dma.local [spmem:s15], $0x2800  }
0x22: {  	_ =	swait.ge [sflag:s16], $0x2800  }
0x23: {  	[sflag:s16] =	ssyncset.done $0x0  }
0x24: {  	[sflag:s16] =	ssyncadd.s32 $0xFFFFD800  }
.LBB2_1:
0x25: {  	[spmem:s15], [sflag:s6] =	dma.local [hbm:s5], $0x2800  }
0x26: {  	_ =	swait.ge [sflag:s16], $0x2800  }
0x27: {  	[sflag:s16] =	ssyncset.done $0x0  }
0x28: {  	[sflag:s16] =	ssyncadd.s32 $0xFFFFD800  }
0x29: {  	[bflag:$0x0] =	sbarrier.arrive $0xFFFF  }
0x2a: {  	[tilespmem:s3], [sflag:$0x2] =	stream.linear.gather [hbm4b:s7+s3], $0x1400, $0x38;
	[tilespmem:$0x1A800] =	vst v63  }
0x2b: {  	_ =	swait.ge [sflag:s16], $0x1400  }
0x2c: {  	[sflag:s16] =	ssyncset.done $0x0  }
0x2d: {  	[sflag:s16] =	ssyncadd.s32 $0xFFFFEC00  }
0x2e: {  	[tilespmem:s17], [sflag:$0x2] =	stream.linear.gather [hbm4b:s8+s3], $0x1400, $0x38;
	[tilespmem:$0x1A800] =	vst v63  }
0x2f: {  	_ =	swait.ge [sflag:s16], $0x1400  }
0x30: {  	[sflag:s16] =	ssyncset.done $0x0  }
0x31: {  	s22 =	simm.s32 $0x0;
	[sflag:s16] =	ssyncadd.s32 $0xFFFFEC00  }
0x32: {  	[tilespmem:s19], [sflag:$0x1] =	stream.indirect.gather [hbm4b:s4+s18], $0x80, s22, s18, $0xb8;
	[tilespmem:$0x1A800] =	vst v63  }
0x33: {  	_ =	swait.ge [sflag:s20], $0x4000  }
0x34: {  	[sflag:s20] =	ssyncset.done $0x0  }
0x35: {  	s31 =	simm.s32 $0x1400;
	[sflag:s20] =	ssyncadd.s32 $0xFFFFC000  }
0x36: {  	[spmem:s2] =	stream.indirect.scatter.add.f32 [tilespmem:s19], [sflag:$0x2], $0x80, s31, s18, $0xb8;
	[tilespmem:$0x1A800] =	vst v63  }
0x37: {  	_ =	swait.ge [sflag:s16], $0x4000  }
0x38: {  	s23 =	simm.s32 $0x400;
	s22 =	simm.s32 $0x200;
	[sflag:s16] =	ssyncset.done $0x0  }
.LBB2_2:
0x39: {  	s24 =	sshra.s32 s22, $0x2  }
0x3a: {  	[sflag:s16] =	ssyncadd.s32 $0xFFFFC000;
	s22 =	smov.u32 s23;
	s25 =	sadd.s32 $0x200, s23  }
0x3b: {  	[tilespmem:s19], [sflag:$0x1] =	stream.indirect.gather [hbm4b:s4+s18], $0x80, s24, s18, $0xb8;
	[tilespmem:$0x1A800] =	vst v63  }
0x3c: {  	p1 =	sne.s32 s23, $0x4E00;
	_ =	swait.ge [sflag:s20], $0x4000  }
.Ltmp2:
0x3d: {  	[sflag:s20] =	ssyncset.done $0x0;
	(pc) =	sbr.rel @p1 .LBB2_2-.Ltmp2, $4  }
0x3e: {  	s23 =	sadd.s32 $0x1400, s24;
	[sflag:s20] =	ssyncadd.s32 $0xFFFFC000  }
0x3f: {  	[spmem:s2] =	stream.indirect.scatter.add.f32 [tilespmem:s19], [sflag:$0x2], $0x80, s23, s18, $0xb8;
	[tilespmem:$0x1A800] =	vst v63  }
0x40: {  	_ =	swait.ge [sflag:s16], $0x4000  }
0x41: {  	s23 =	smov.u32 s25;
	[sflag:s16] =	ssyncset.done $0x0  }
0x42: {  	s22 =	sshra.s32 s22, $0x2;
	[sflag:s16] =	ssyncadd.s32 $0xFFFFC000  }
0x43: {  	[tilespmem:s19], [sflag:$0x1] =	stream.indirect.gather [hbm4b:s4+s18], $0x80, s22, s18, $0xb8;
	[tilespmem:$0x1A800] =	vst v63  }
0x44: {  	_ =	swait.ge [sflag:s20], $0x4000  }
0x45: {  	[sflag:s20] =	ssyncset.done $0x0  }
.Ltmp3:
0x46: {  	s22 =	sadd.s32 $0x1400, s22;
	[sflag:s20] =	ssyncadd.s32 $0xFFFFC000;
	(pc) =	sbr.rel @p0 .LBB2_9-.Ltmp3, $4  }
0x47: {  	[spmem:s2] =	stream.indirect.scatter.add.f32 [tilespmem:s19], [sflag:$0x2], $0x80, s22, s18, $0xb8;
	[tilespmem:$0x1A800] =	vst v63  }
0x48: {  	_ =	swait.ge [sflag:s16], $0x4000  }
0x49: {  	[sflag:s16] =	ssyncset.done $0x0  }
0x4a: {  	[sflag:s16] =	ssyncadd.s32 $0xFFFFC000  }
0x4b: {  	s22 =	simm.s32 $0x0  }
0x4c: {  	[tilespmem:s22], [sflag:$0x2] =	stream.linear.gather [hbm4b:s9+s22], $0x1400, $0x38;
	[tilespmem:$0x1A800] =	vst v63  }
0x4d: {  	_ =	swait.ge [sflag:s16], $0x1400  }
0x4e: {  	[sflag:s16] =	ssyncset.done $0x0  }
0x4f: {  	[sflag:s16] =	ssyncadd.s32 $0xFFFFEC00  }
0x50: {  	[tilespmem:s17], [sflag:$0x2] =	stream.linear.gather [hbm4b:s10+s22], $0x1400, $0x38;
	[tilespmem:$0x1A800] =	vst v63  }
0x51: {  	_ =	swait.ge [sflag:s16], $0x1400  }
0x52: {  	[sflag:s16] =	ssyncset.done $0x0  }
0x53: {  	s30 =	simm.s32 $0x0;
	[sflag:s16] =	ssyncadd.s32 $0xFFFFEC00  }
0x54: {  	[tilespmem:s19], [sflag:$0x1] =	stream.indirect.gather [hbm4b:s4+s18], $0x80, s30, s18, $0xb8;
	[tilespmem:$0x1A800] =	vst v63  }
0x55: {  	_ =	swait.ge [sflag:s20], $0x4000  }
0x56: {  	[sflag:s20] =	ssyncset.done $0x0  }
0x57: {  	s31 =	simm.s32 $0x1400;
	[sflag:s20] =	ssyncadd.s32 $0xFFFFC000  }
0x58: {  	[spmem:s2] =	stream.indirect.scatter.add.f32 [tilespmem:s19], [sflag:$0x2], $0x80, s31, s18, $0xb8;
	[tilespmem:$0x1A800] =	vst v63  }
0x59: {  	_ =	swait.ge [sflag:s16], $0x4000  }
0x5a: {  	s23 =	simm.s32 $0x400;
	s22 =	simm.s32 $0x200;
	[sflag:s16] =	ssyncset.done $0x0  }
.LBB2_5:
0x5b: {  	s24 =	sshra.s32 s22, $0x2  }
0x5c: {  	[sflag:s16] =	ssyncadd.s32 $0xFFFFC000;
	s22 =	smov.u32 s23;
	s25 =	sadd.s32 $0x200, s23  }
0x5d: {  	[tilespmem:s19], [sflag:$0x1] =	stream.indirect.gather [hbm4b:s4+s18], $0x80, s24, s18, $0xb8;
	[tilespmem:$0x1A800] =	vst v63  }
0x5e: {  	p1 =	sne.s32 s23, $0x4E00;
	_ =	swait.ge [sflag:s20], $0x4000  }
.Ltmp4:
0x5f: {  	[sflag:s20] =	ssyncset.done $0x0;
	(pc) =	sbr.rel @p1 .LBB2_5-.Ltmp4, $4  }
0x60: {  	s23 =	sadd.s32 $0x1400, s24;
	[sflag:s20] =	ssyncadd.s32 $0xFFFFC000  }
0x61: {  	[spmem:s2] =	stream.indirect.scatter.add.f32 [tilespmem:s19], [sflag:$0x2], $0x80, s23, s18, $0xb8;
	[tilespmem:$0x1A800] =	vst v63  }
0x62: {  	_ =	swait.ge [sflag:s16], $0x4000  }
0x63: {  	s23 =	smov.u32 s25;
	[sflag:s16] =	ssyncset.done $0x0  }
0x64: {  	s22 =	sshra.s32 s22, $0x2;
	[sflag:s16] =	ssyncadd.s32 $0xFFFFC000  }
0x65: {  	[tilespmem:s19], [sflag:$0x1] =	stream.indirect.gather [hbm4b:s4+s18], $0x80, s22, s18, $0xb8;
	[tilespmem:$0x1A800] =	vst v63  }
0x66: {  	_ =	swait.ge [sflag:s20], $0x4000  }
0x67: {  	[sflag:s20] =	ssyncset.done $0x0  }
0x68: {  	s22 =	sadd.s32 $0x1400, s22;
	[sflag:s20] =	ssyncadd.s32 $0xFFFFC000  }
0x69: {  	[spmem:s2] =	stream.indirect.scatter.add.f32 [tilespmem:s19], [sflag:$0x2], $0x80, s22, s18, $0xb8;
	[tilespmem:$0x1A800] =	vst v63  }
0x6a: {  	_ =	swait.ge [sflag:s16], $0x4000  }
0x6b: {  	[sflag:s16] =	ssyncset.done $0x0  }
0x6c: {  	s29 =	simm.s32 $0x0;
	[sflag:s16] =	ssyncadd.s32 $0xFFFFC000  }
0x6d: {  	[tilespmem:s29], [sflag:$0x2] =	stream.linear.gather [hbm4b:s11+s29], $0x1400, $0x38;
	[tilespmem:$0x1A800] =	vst v63  }
0x6e: {  	_ =	swait.ge [sflag:s16], $0x1400  }
0x6f: {  	[sflag:s16] =	ssyncset.done $0x0  }
0x70: {  	[sflag:s16] =	ssyncadd.s32 $0xFFFFEC00  }
0x71: {  	[tilespmem:s17], [sflag:$0x2] =	stream.linear.gather [hbm4b:s12+s29], $0x1400, $0x38;
	[tilespmem:$0x1A800] =	vst v63  }
0x72: {  	_ =	swait.ge [sflag:s16], $0x1400  }
0x73: {  	[sflag:s16] =	ssyncset.done $0x0  }
0x74: {  	s30 =	simm.s32 $0x0;
	[sflag:s16] =	ssyncadd.s32 $0xFFFFEC00  }
0x75: {  	[tilespmem:s19], [sflag:$0x1] =	stream.indirect.gather [hbm4b:s4+s18], $0x80, s30, s18, $0xb8;
	[tilespmem:$0x1A800] =	vst v63  }
0x76: {  	_ =	swait.ge [sflag:s20], $0x4000  }
0x77: {  	[sflag:s20] =	ssyncset.done $0x0  }
0x78: {  	s31 =	simm.s32 $0x1400;
	[sflag:s20] =	ssyncadd.s32 $0xFFFFC000  }
0x79: {  	[spmem:s2] =	stream.indirect.scatter.add.f32 [tilespmem:s19], [sflag:$0x2], $0x80, s31, s18, $0xb8;
	[tilespmem:$0x1A800] =	vst v63  }
0x7a: {  	_ =	swait.ge [sflag:s16], $0x4000  }
0x7b: {  	s23 =	simm.s32 $0x400;
	s22 =	simm.s32 $0x200;
	[sflag:s16] =	ssyncset.done $0x0  }
.LBB2_7:
0x7c: {  	s24 =	sshra.s32 s22, $0x2  }
0x7d: {  	[sflag:s16] =	ssyncadd.s32 $0xFFFFC000;
	s22 =	smov.u32 s23;
	s25 =	sadd.s32 $0x200, s23  }
0x7e: {  	[tilespmem:s19], [sflag:$0x1] =	stream.indirect.gather [hbm4b:s4+s18], $0x80, s24, s18, $0xb8;
	[tilespmem:$0x1A800] =	vst v63  }
0x7f: {  	p1 =	sne.s32 s23, $0x4E00;
	_ =	swait.ge [sflag:s20], $0x4000  }
.Ltmp5:
0x80: {  	[sflag:s20] =	ssyncset.done $0x0;
	(pc) =	sbr.rel @p1 .LBB2_7-.Ltmp5, $4  }
0x81: {  	s23 =	sadd.s32 $0x1400, s24;
	[sflag:s20] =	ssyncadd.s32 $0xFFFFC000  }
0x82: {  	[spmem:s2] =	stream.indirect.scatter.add.f32 [tilespmem:s19], [sflag:$0x2], $0x80, s23, s18, $0xb8;
	[tilespmem:$0x1A800] =	vst v63  }
0x83: {  	_ =	swait.ge [sflag:s16], $0x4000  }
0x84: {  	s23 =	smov.u32 s25;
	[sflag:s16] =	ssyncset.done $0x0  }
.Ltmp6:
0x85: {  	_ = 	snop;
	(pc) =	sbr.rel .LBB2_8-.Ltmp6, $1  }
0x86: {  	_ =	sdelay $0x3  }
.LBB2_10:
0x87: {  	_ =	sfence.sel $0x180000  }
0x88: {  	[bflag:$0x0] =	sbarrier.arrive $0xFFFF  }
0x89: {  	p0 =	sne.s32 s1, $0x0;
	_ =	strace $0x9000004A  }
0x8a: {  	s0 =	sadd.s32 @!p0 $0x100000, s0;
	[bflag:$0x2] =	sbarrier.arrive $0xFFFF  }
0x8b: {  	[sflag:s0] =	ssyncadd.tile.s32 @!p0 $0x1;
	_ =	shalt  }
.Lfunc_end2:
_tile_overlayer_lowered:
.L_overlay_start_2:
0x8c: {  	(tag) =	ssettag $0x2  }
0x8d: {  	s0 =	rddreg [dreg:$0x0];
	s2 =	stileid.u32  }
0x8e: {  	s1 =	rddreg [dreg:$0x1];
	p0 =	sne.s32 s2, $0x0  }
0x8f: {  	s3 =	rddreg [dreg:$0x2];
	[bflag:$0x3] =	sbarrier.arrive $0xFFFF;
	s2 =	simm.s32 @!p0 $0x1C02  }
0x90: {  	[timem:s3], [sflag:s2] =	dma.local @!p0 [hbm:s0], s1  }
0x91: {  	s0 =	simm.s32 @!p0 $0x2  }
0x92: {  	_ =	swait.ge @!p0 [sflag:s0], s1  }
0x93: {  	s1 =	ssub.s32 @!p0 $0x0, s1;
	[sflag:s0] =	ssyncset.done @!p0 $0x0  }
0x94: {  	[sflag:s0] =	ssyncadd.s32 @!p0 s1  }
0x95: {  	[bflag:$0x3] =	sbarrier.arrive $0xFFFF  }
0x96: {  	_ =	shalt  }

// kernel: kernel.14.cloned.1.call-start
scs
__scs_entry_jumppad:
0x0: {  	(pc) =	sbr.rel $0x88, $3  }
0x1: {  	(tag) =	ssettag $0x0;
	lr =	simm.s32 $0x1  }
0x2: {  	[smem:$0x3F9B] =	sst lr;
	_ =	strace $0xD0000000  }
0x3: {  	_ = 	snop  }
0x4: {  	_ = 	snop  }
0x5: {  	_ = 	snop  }
0x6: {  	_ = 	snop  }
0x7: {  	_ = 	snop  }
__scs_overlays_trampoline_lowered:
0x8: {  	[smem:$0x3FAA] =	sst s0  }
0x9: {  	[smem:$0x3FAB] =	sst s1  }
0xa: {  	[smem:$0x3FAC] =	sst s2  }
0xb: {  	[smem:$0x3FAD] =	sst s3  }
0xc: {  	[smem:$0x3FAE] =	sst s4  }
0xd: {  	[smem:$0x3FAF] =	sst s5  }
0xe: {  	[smem:$0x3FB0] =	sst s6  }
0xf: {  	[smem:$0x3FB1] =	sst s7  }
0x10: {  	[smem:$0x3FB2] =	sst s8  }
0x11: {  	[smem:$0x3FB3] =	sst s9;
	s0 =	simm.s32 @!p0 $0x0  }
0x12: {  	s1 =	sld [smem:$0x3F99];
	s0 =	simm.s32 @p0 $0x1  }
0x13: {  	[smem:$0x3FB4] =	sst s0;
	s0 =	simm.s32 @!p1 $0x0  }
0x14: {  	s2 =	sld [smem:$0x3F98];
	s0 =	simm.s32 @p1 $0x1  }
0x15: {  	[smem:$0x3FB5] =	sst s0;
	s0 =	simm.s32 @!p2 $0x0  }
0x16: {  	s3 =	sld [smem:$0x3FDB];
	s0 =	simm.s32 @p2 $0x1  }
0x17: {  	s4 =	simm.s32 $0x1BF5;
	[smem:$0x3FB7] =	sst s0  }
0x18: {  	s0 =	sld [smem:$0x3F9A];
	_ =	swait.ge [sflag:s4], $0x0  }
0x19: {  	s7 =	sld [smem:$0x3F9B]  }
0x1a: {  	s8 =	sadd.s32 $0xFFFFE003, lr  }
0x1b: {  	s9 =	sadd.s32 $0xFFFFFEF7, lr;
	s5 =	simm.s32 $0xFFFFFFFF;
	p2 =	slt.u32 s8, $0xFFFFF086  }
0x1c: {  	p1 =	slt.u32 s9, $0xF7A;
	s5 =	simm.s32 @!p2 $0x0  }
0x1d: {  	s5 =	simm.s32 @p1 $0x1;
	p0 =	seq.s32 s7, s2  }
0x1e: {  	s7 =	smul.u32 @!p0 $0xF7A, s2;
	p2 =	seq.s32 @!p0 s5, $0x0  }
0x1f: {  	s9 =	smul.u32 $0xF7A, s1;
	s8 =	simm.s32 @!p0 $0x1BF5;
	p2 =	por !p2, p0  }
0x20: {  	[sflag:s8] =	ssyncset.s32 @!p0 $0xFFFFF086;
	s6 =	sadd.s32 @!p0 s3, s7;
	s7 =	simm.s32 @!p0 $0x108  }
0x21: {  	s3 =	sadd.s32 s3, s9;
	s6 =	sadd.s32 @!p0 $0x88, s6;
	s7 =	simm.s32 @p2 $0x1082  }
0x22: {  	[simem:s7], [sflag:s8] =	dma.local @!p0 [hbm:s6], $0xF7A  }
0x23: {  	s9 =	sor.u32 $0xD0000000, s2;
	s6 =	simm.s32 $0x108;
	_ =	swait.ge @!p0 [sflag:s8], $0x0  }
0x24: {  	s3 =	sadd.s32 $0x88, s3;
	s6 =	simm.s32 @!p1 $0x1082;
	[sflag:s4] =	ssyncset.s32 $0xFFFFF086  }
0x25: {  	[simem:s6], [sflag:s4] =	dma.local [hbm:s3], $0xF7A  }
0x26: {  	[smem:$0x3F9B] =	sst s1;
	(tag) =	ssettag s2;
	_ =	strace s9  }
0x27: {  	s1 =	sld [smem:$0x3FAB]  }
0x28: {  	s2 =	sld [smem:$0x3FAC]  }
0x29: {  	s4 =	sld [smem:$0x3FAE]  }
0x2a: {  	p0 =	seq.s32 s5, $0x0;
	s5 =	sld [smem:$0x3FAF]  }
0x2b: {  	s6 =	sld [smem:$0x3FB0]  }
0x2c: {  	s7 =	sld [smem:$0x3FB1]  }
0x2d: {  	s3 =	simm.s32 $0x108;
	s8 =	sld [smem:$0x3FB2]  }
0x2e: {  	s3 =	simm.s32 @!p0 $0x1082;
	s9 =	sld [smem:$0x3FB3]  }
0x2f: {  	lr =	sadd.s32 s0, s3;
	s0 =	sld [smem:$0x3FAA]  }
0x30: {  	s3 =	sld [smem:$0x3FAD]  }
0x31: {  	[smem:$0x3FB6] =	sst s10  }
0x32: {  	s10 =	sld [smem:$0x3FB4];
	_ =	sdelay $0x3  }
0x33: {  	p0 =	seq.s32 s10, $0x1;
	s10 =	sld [smem:$0x3FB6];
	_ =	sdelay $0x3  }
0x34: {  	[smem:$0x3FB6] =	sst s10  }
0x35: {  	s10 =	sld [smem:$0x3FB5];
	_ =	sdelay $0x3  }
0x36: {  	p1 =	seq.s32 s10, $0x1;
	s10 =	sld [smem:$0x3FB6];
	_ =	sdelay $0x3  }
0x37: {  	[smem:$0x3FB6] =	sst s10  }
0x38: {  	s10 =	sld [smem:$0x3FB7]  }
0x39: {  	_ = 	snop;
	(pc) =	sbr.ind lr, $3  }
0x3a: {  	_ = 	snop  }
0x3b: {  	_ = 	snop  }
0x3c: {  	p2 =	seq.s32 s10, $0x1;
	s10 =	sld [smem:$0x3FB6]  }
0x3d: {  	_ =	shalt  }
0x3e: {  	_ =	shalt  }
0x3f: {  	_ =	shalt  }
0x40: {  	_ =	shalt  }
0x41: {  	_ =	shalt  }
0x42: {  	_ =	shalt  }
0x43: {  	_ =	shalt  }
0x44: {  	_ =	shalt  }
0x45: {  	_ =	shalt  }
0x46: {  	_ =	shalt  }
0x47: {  	_ =	shalt  }
0x48: {  	_ =	shalt  }
0x49: {  	_ =	shalt  }
0x4a: {  	_ =	shalt  }
0x4b: {  	_ =	shalt  }
0x4c: {  	_ =	shalt  }
0x4d: {  	_ =	shalt  }
0x4e: {  	_ =	shalt  }
0x4f: {  	_ =	shalt  }
0x50: {  	_ =	shalt  }
0x51: {  	_ =	shalt  }
0x52: {  	_ =	shalt  }
0x53: {  	_ =	shalt  }
0x54: {  	_ =	shalt  }
0x55: {  	_ =	shalt  }
0x56: {  	_ =	shalt  }
0x57: {  	_ =	shalt  }
0x58: {  	_ =	shalt  }
0x59: {  	_ =	shalt  }
0x5a: {  	_ =	shalt  }
0x5b: {  	_ =	shalt  }
0x5c: {  	_ =	shalt  }
0x5d: {  	_ =	shalt  }
0x5e: {  	_ =	shalt  }
0x5f: {  	_ =	shalt  }
0x60: {  	_ =	shalt  }
0x61: {  	_ =	shalt  }
0x62: {  	_ =	shalt  }
0x63: {  	_ =	shalt  }
0x64: {  	_ =	shalt  }
0x65: {  	_ =	shalt  }
0x66: {  	_ =	shalt  }
0x67: {  	_ =	shalt  }
0x68: {  	_ =	shalt  }
0x69: {  	_ =	shalt  }
0x6a: {  	_ =	shalt  }
0x6b: {  	_ =	shalt  }
0x6c: {  	_ =	shalt  }
0x6d: {  	_ =	shalt  }
0x6e: {  	_ =	shalt  }
0x6f: {  	_ =	shalt  }
0x70: {  	_ =	shalt  }
0x71: {  	_ =	shalt  }
0x72: {  	_ =	shalt  }
0x73: {  	_ =	shalt  }
0x74: {  	_ =	shalt  }
0x75: {  	_ =	shalt  }
0x76: {  	_ =	shalt  }
0x77: {  	_ =	shalt  }
0x78: {  	_ =	shalt  }
0x79: {  	_ =	shalt  }
0x7a: {  	_ =	shalt  }
0x7b: {  	_ =	shalt  }
0x7c: {  	_ =	shalt  }
0x7d: {  	_ =	shalt  }
0x7e: {  	_ =	shalt  }
0x7f: {  	_ =	shalt  }
0x80: {  	_ =	shalt  }
0x81: {  	_ =	shalt  }
0x82: {  	_ =	shalt  }
0x83: {  	_ =	shalt  }
0x84: {  	_ =	shalt  }
0x85: {  	_ =	shalt  }
0x86: {  	_ =	shalt  }
0x87: {  	_ =	shalt  }
.Lfunc_end0:
.L_simem_size_0:
called_computation.2_lowered:
.L_overlay_start_0:
0x88: {  	s2 =	sld [smem:$0x3FD9]  }
0x89: {  	s3 =	sld [smem:$0x3FFE];
	_ =	sdelay $0x1  }
0x8a: {  	s1 =	srdreg.scid  }
0x8b: {  	s0 =	sand.u32 $0x1, s1  }
0x8c: {  	s16 =	sshll.u32 s0, $0xA;
	s2 =	sadd.s32 s3, s2  }
0x8d: {  	s2 =	sadd.s32 s2, s16  }
0x8e: {  	[smem:$0x3FC2] =	sst s2  }
0x8f: {  	_ = 	snop  }
0x90: {  	(tm) =	ssettm $0x1  }
0x91: {  	s17 =	sld [smem:$0x3FFB];
	_ =	sdelay $0x3  }
0x92: {  	_ =	strace s17  }
0x93: {  	s2 =	sld [smem:$0x3FFC];
	_ =	sdelay $0x3  }
0x94: {  	_ =	strace s2  }
0x95: {  	s2 =	sld [smem:$0x3FFD];
	_ =	sdelay $0x3  }
0x96: {  	_ =	strace s2  }
0x97: {  	_ =	strace $0x8FFFFFFF  }
0x98: {  	s18 =	sld [smem:$0x3FDB];
	_ =	sdelay $0x1  }
0x99: {  	s19 =	simm.s32 $_scs_section_size  }
0x9a: {  	s4 =	simm.s32 $_size__tile_overlayer_lowered;
	s5 =	simm.s32 $_tile_overlayer_lowered  }
0x9b: {  	s22 =	simm.s32 $0x1BFF;
	s21 =	sshll.u32 s5, $0x1;
	s2 =	sadd.s32 s19, s18  }
0x9c: {  	s6 =	simm.s32 $0x0;
	s20 =	sshll.u32 s4, $0x1;
	s4 =	sadd.s32 s21, s2  }
0x9d: {  	[timem:s6], [sflag:s22] =	dma.local [hbm:s4], s20  }
0x9e: {  	_ =	swait.ge [sflag:s22], s20  }
0x9f: {  	s3 =	ssub.s32 $0x0, s20;
	[sflag:s22] =	ssyncset.done $0x0  }
0xa0: {  	[sflag:s22] =	ssyncadd.s32 s3;
	_ =	sdelay $0x1  }
0xa1: {  	s23 =	simm.s32 $0x1B8B  }
0xa2: {  	_ =	swait.ge [sflag:s23], $0x1  }
0xa3: {  	[sflag:s23] =	ssyncset.done $0x0  }
0xa4: {  	s25 =	simm.s32 $0x1B8E;
	s24 =	sld [smem:$0x3FFE];
	[sflag:s23] =	ssyncadd.s32 $0xFFFFFFFF  }
0xa5: {  	s26 =	simm.s32 $execute0_lowered;
	[smem:$0x3FD2] =	sst s25  }
0xa6: {  	s4 =	sshll.u32 s26, $0x1;
	_ =	strace $0x8000004C;
	[dreg:$0x1] =	wrdreg $0xFFFFFFFF  }
0xa7: {  	s28 =	simm.s32 $_size_execute0_lowered;
	s2 =	sadd.s32 s2, s4;
	[dreg:$0x0] =	wrdreg $0x0  }
0xa8: {  	s4 =	sshll.u32 s28, $0x1;
	[dreg:$0x2] =	wrdreg s2  }
0xa9: {  	[dreg:$0x3] =	wrdreg s4  }
0xaa: {  	[dreg:$0x4] =	wrdreg $0xC0  }
0xab: {  	_ =	task [dreg:s6], $0x5FFFF  }
0xac: {  	[dreg:$0x1] =	wrdreg $0xFFFFFFFF  }
0xad: {  	[dreg:$0x0] =	wrdreg $0x60  }
0xae: {  	[dreg:$0x2] =	wrdreg s24  }
0xaf: {  	[dreg:$0x3] =	wrdreg $0x9  }
0xb0: {  	_ =	task.clear_ibuf [dreg:s6], $0x4FFFF;
	_ =	strace $0x9000004C  }
0xb1: {  	s29 =	simm.s32 $0x9;
	_ =	strace $0x8000004E  }
0xb2: {  	_ =	swait.ge [sflag:s29], $0x1  }
0xb3: {  	[sflag:s29] =	ssyncadd.s32 $0xFFFFFFFF  }
0xb4: {  	_ =	strace $0x9000004E  }
0xb5: {  	_ =	sfence  }
0xb6: {  	s30 =	sld [smem:$0x0];
	_ =	sdelay $0x2  }
0xb7: {  	s31 =	sshll.u32 s1, $0xD;
	s1 =	sshrl.u32 s1, $0x2  }
0xb8: {  	s3 =	sand.u32 $0x4000, s31;
	s1 =	sadd.s32 s1, s30  }
0xb9: {  	s0 =	sor.u32 s3, s0;
	s1 =	sshll.u32 s1, $0x11  }
0xba: {  	s0 =	sor.u32 s1, s0  }
0xbb: {  	s0 =	sadd.s32 $0x8F2B, s0  }
0xbc: {  	[sflag:s0] =	ssyncadd.remote.s32 $0x1  }
0xbd: {  	_ =	sfence.sel $0xFFFF  }
0xbe: {  	[dreg:$0x0] =	wrdreg $0xFFFFFFFF;
	(pc) =	sbr.abs _section_cstart, $3  }
0xbf: {  	[dreg:$0x1] =	wrdreg $0xFFFFFFFF  }
0xc0: {  	_ =	task.clear_ibuf [dreg:s6], $0x2FFFF;
	_ =	strace $0x9FFFFFFF  }
0xc1: {  	(tm) =	ssettm $0x7FFFFFFF  }
tec
execute0_lowered:
.L_overlay_start_1:
0x0: {  	(tag) =	ssettag $0x1  }
0x1: {  	s0 =	srdreg.scid  }
0x2: {  	s3 =	sand.u32 $0x1, s0  }
0x3: {  	s4 =	rddreg [dreg:$0x0];
	s0 =	stileid.u32;
	s1 =	sshll.u32 s3, $0x4  }
0x4: {  	s2 =	simm.s32 $0x0;
	s9 =	simm.s32 $0x400;
	s1 =	sor.u32 s0, s1  }
0x5: {  	s10 =	simm.s32 $0x1;
	s11 =	simm.s32 $0x2800;
	s1 =	sshrl.u32 s1, $0x3  }
0x6: {  	s12 =	simm.s32 $0x5000;
	s6 =	sshll.u32 s0, $0x7;
	s5 =	smul.u32 $0x14000, s1  }
0x7: {  	s13 =	simm.s32 $0x7800;
	s14 =	simm.s32 $0x0;
	s6 =	sand.u32 $0x380, s6  }
0x8: {  	[smem:$0x7FF] =	sst s2;
	s30 =	ssub.s32 $0x2, s3;
	s5 =	sor.u32 s6, s5  }
0x9: {  	s3 =	sadd.s32 $0x2C00, s4;
	s31 =	sshrl.u32 s30, $0x1;
	s5 =	sshrl.u32 s5, $0x3  }
0xa: {  	s8 =	ssub.s32 s30, s31;
	s1 =	rddreg [dreg:$0x1];
	s7 =	sadd.s32 s5, s4  }
0xb: {  	_ =	strace $0x8000004D;
	s4 =	sadd.s32 $0x16C00, s7;
	s5 =	sadd.s32 $0xCC00, s7  }
0xc: {  	v0 =	vimm.f32 $0.0e+00;
	s6 =	sadd.s32 $0x20C00, s7;
	s7 =	smax.u32 s8, $0x1;
	s8 =	simm.s32 $0x80  }
.LBB2_1:
0xd: {  	[tilespmem:s2], [sflag:$0x1] =	stream.strided.gather [hbm4b:s4+s8], $0x2800, s9, s8, $0x38;
	[tilespmem:$0xA000] =	vst v63  }
0xe: {  	_ =	swait.ge [sflag:s10], $0x2800  }
0xf: {  	[sflag:s10] =	ssyncset.done $0x0  }
0x10: {  	[sflag:s10] =	ssyncadd.s32 $0xFFFFD800  }
0x11: {  	[tilespmem:s11], [sflag:$0x1] =	stream.strided.gather [hbm4b:s5+s8], $0x2800, s9, s8, $0x38;
	[tilespmem:$0xA000] =	vst v63  }
0x12: {  	_ =	swait.ge [sflag:s10], $0x2800  }
0x13: {  	[sflag:s10] =	ssyncset.done $0x0  }
0x14: {  	[sflag:s10] =	ssyncadd.s32 $0xFFFFD800  }
0x15: {  	[tilespmem:s12], [sflag:$0x1] =	stream.linear.gather [hbm4b:s3+s2], $0x2800, $0x38;
	[tilespmem:$0xA000] =	vst v63  }
0x16: {  	_ =	swait.ge [sflag:s10], $0x2800  }
0x17: {  	[sflag:s10] =	ssyncset.done $0x0  }
0x18: {  	s15 =	simm.s32 $0x0;
	[sflag:s10] =	ssyncadd.s32 $0xFFFFD800  }
.LBB2_2:
0x19: {  	p0 =	sne.s32 s15, $0x9FC0  }
.Ltmp0:
0x1a: {  	_ = 	snop;
	(pc) =	sbr.rel @p0 .LBB2_2-.Ltmp0, $3  }
0x1b: {  	_ =	sdelay $0x1  }
0x1c: {  	s16 =	sshra.s32 s15, $0x2  }
0x1d: {  	s15 =	sadd.s32 $0x40, s15;
	[tilespmem:s16+$0x7800] =	vst v0  }
0x1e: {  	s16 =	simm.s32 $0x0;
	s15 =	simm.s32 $0x40  }
.LBB2_4:
0x1f: {  	p0 =	sne.s32 s15, $0x9FC0;
	v1 =	vld [tilespmem:s16+$0x0];
	_ =	sdelay $0x5  }
0x20: {  	v2 =	vld [tilespmem:s16+$0x2800];
	_ =	sdelay $0x1  }
0x21: {  	v1 =	vld.idx.msk [tilespmem:v1+s12+$0x0], $0xffff;
	_ =	sdelay $0x1  }
.Ltmp1:
0x22: {  	(pc) =	sbr.rel @p0 .LBB2_4-.Ltmp1, $2  }
0x23: {  	_ =	sdelay $0x2  }
0x24: {  	s16 =	sshra.s32 s15, $0x2;
	s15 =	sadd.s32 $0x40, s15;
	[tilespmem:v2+s13+$0x0] =	vst.idx.add.f32.msk $0xffff, v1  }
0x25: {  	v1 =	vld [tilespmem:s16+$0x0];
	_ =	sdelay $0x4  }
0x26: {  	v2 =	vld [tilespmem:s16+$0x2800];
	_ =	sdelay $0x2  }
0x27: {  	v1 =	vld.idx.msk [tilespmem:v1+s12+$0x0], $0xffff;
	_ =	sdelay $0x2  }
0x28: {  	s14 =	sadd.s32 $0x1, s14  }
0x29: {  	p0 =	sne.s32 s14, s7  }
.Ltmp2:
0x2a: {  	[tilespmem:v2+s13+$0x0] =	vst.idx.add.f32.msk $0xffff, v1;
	(pc) =	sbr.rel @p0 .LBB2_1-.Ltmp2, $4  }
0x2b: {  	[hbm4b:s6+s8] =	stream.strided.scatter [tilespmem:s13], [sflag:$0x1], $0x2800, s9, s8, $0x38;
	[tilespmem:$0xA000] =	vst v63  }
0x2c: {  	_ =	swait.ge [sflag:s10], $0x2800  }
0x2d: {  	[sflag:s10] =	ssyncset.done $0x0  }
0x2e: {  	[sflag:s10] =	ssyncadd.s32 $0xFFFFD800  }
0x2f: {  	_ =	sfence.sel $0x180000  }
0x30: {  	[bflag:$0x0] =	sbarrier.arrive $0xFFFF  }
0x31: {  	p0 =	sne.s32 s0, $0x0;
	_ =	strace $0x9000004D  }
0x32: {  	s0 =	sadd.s32 @!p0 $0x100000, s1;
	[bflag:$0x2] =	sbarrier.arrive $0xFFFF  }
0x33: {  	[sflag:s0] =	ssyncadd.tile.s32 @!p0 $0x1;
	_ =	shalt  }
.Lfunc_end2:
_tile_overlayer_lowered:
.L_overlay_start_2:
0x34: {  	(tag) =	ssettag $0x2  }
0x35: {  	s0 =	rddreg [dreg:$0x0];
	s2 =	stileid.u32  }
0x36: {  	s1 =	rddreg [dreg:$0x1];
	p0 =	sne.s32 s2, $0x0  }
0x37: {  	s3 =	rddreg [dreg:$0x2];
	[bflag:$0x3] =	sbarrier.arrive $0xFFFF;
	s2 =	simm.s32 @!p0 $0x1C01  }
0x38: {  	[timem:s3], [sflag:s2] =	dma.local @!p0 [hbm:s0], s1  }
0x39: {  	s0 =	simm.s32 @!p0 $0x1  }
0x3a: {  	_ =	swait.ge @!p0 [sflag:s0], s1  }
0x3b: {  	s1 =	ssub.s32 @!p0 $0x0, s1;
	[sflag:s0] =	ssyncset.done @!p0 $0x0  }
0x3c: {  	[sflag:s0] =	ssyncadd.s32 @!p0 s1  }
0x3d: {  	[bflag:$0x3] =	sbarrier.arrive $0xFFFF  }
0x3e: {  	_ =	shalt  }

// kernel: kernel.8.cloned.1.call-start
scs
__scs_entry_jumppad:
0x0: {  	(pc) =	sbr.rel $0x88, $3  }
0x1: {  	(tag) =	ssettag $0x0;
	lr =	simm.s32 $0x1  }
0x2: {  	[smem:$0x3F9B] =	sst lr;
	_ =	strace $0xD0000000  }
0x3: {  	_ = 	snop  }
0x4: {  	_ = 	snop  }
0x5: {  	_ = 	snop  }
0x6: {  	_ = 	snop  }
0x7: {  	_ = 	snop  }
__scs_overlays_trampoline_lowered:
0x8: {  	[smem:$0x3FAA] =	sst s0  }
0x9: {  	[smem:$0x3FAB] =	sst s1  }
0xa: {  	[smem:$0x3FAC] =	sst s2  }
0xb: {  	[smem:$0x3FAD] =	sst s3  }
0xc: {  	[smem:$0x3FAE] =	sst s4  }
0xd: {  	[smem:$0x3FAF] =	sst s5  }
0xe: {  	[smem:$0x3FB0] =	sst s6  }
0xf: {  	[smem:$0x3FB1] =	sst s7  }
0x10: {  	[smem:$0x3FB2] =	sst s8  }
0x11: {  	[smem:$0x3FB3] =	sst s9;
	s0 =	simm.s32 @!p0 $0x0  }
0x12: {  	s1 =	sld [smem:$0x3F99];
	s0 =	simm.s32 @p0 $0x1  }
0x13: {  	[smem:$0x3FB4] =	sst s0;
	s0 =	simm.s32 @!p1 $0x0  }
0x14: {  	s2 =	sld [smem:$0x3F98];
	s0 =	simm.s32 @p1 $0x1  }
0x15: {  	[smem:$0x3FB5] =	sst s0;
	s0 =	simm.s32 @!p2 $0x0  }
0x16: {  	s3 =	sld [smem:$0x3FDB];
	s0 =	simm.s32 @p2 $0x1  }
0x17: {  	s4 =	simm.s32 $0x1BF5;
	[smem:$0x3FB7] =	sst s0  }
0x18: {  	s0 =	sld [smem:$0x3F9A];
	_ =	swait.ge [sflag:s4], $0x0  }
0x19: {  	s7 =	sld [smem:$0x3F9B]  }
0x1a: {  	s8 =	sadd.s32 $0xFFFFE003, lr  }
0x1b: {  	s9 =	sadd.s32 $0xFFFFFEF7, lr;
	s5 =	simm.s32 $0xFFFFFFFF;
	p2 =	slt.u32 s8, $0xFFFFF086  }
0x1c: {  	p1 =	slt.u32 s9, $0xF7A;
	s5 =	simm.s32 @!p2 $0x0  }
0x1d: {  	s5 =	simm.s32 @p1 $0x1;
	p0 =	seq.s32 s7, s2  }
0x1e: {  	s7 =	smul.u32 @!p0 $0xF7A, s2;
	p2 =	seq.s32 @!p0 s5, $0x0  }
0x1f: {  	s9 =	smul.u32 $0xF7A, s1;
	s8 =	simm.s32 @!p0 $0x1BF5;
	p2 =	por !p2, p0  }
0x20: {  	[sflag:s8] =	ssyncset.s32 @!p0 $0xFFFFF086;
	s6 =	sadd.s32 @!p0 s3, s7;
	s7 =	simm.s32 @!p0 $0x108  }
0x21: {  	s3 =	sadd.s32 s3, s9;
	s6 =	sadd.s32 @!p0 $0x88, s6;
	s7 =	simm.s32 @p2 $0x1082  }
0x22: {  	[simem:s7], [sflag:s8] =	dma.local @!p0 [hbm:s6], $0xF7A  }
0x23: {  	s9 =	sor.u32 $0xD0000000, s2;
	s6 =	simm.s32 $0x108;
	_ =	swait.ge @!p0 [sflag:s8], $0x0  }
0x24: {  	s3 =	sadd.s32 $0x88, s3;
	s6 =	simm.s32 @!p1 $0x1082;
	[sflag:s4] =	ssyncset.s32 $0xFFFFF086  }
0x25: {  	[simem:s6], [sflag:s4] =	dma.local [hbm:s3], $0xF7A  }
0x26: {  	[smem:$0x3F9B] =	sst s1;
	(tag) =	ssettag s2;
	_ =	strace s9  }
0x27: {  	s1 =	sld [smem:$0x3FAB]  }
0x28: {  	s2 =	sld [smem:$0x3FAC]  }
0x29: {  	s4 =	sld [smem:$0x3FAE]  }
0x2a: {  	p0 =	seq.s32 s5, $0x0;
	s5 =	sld [smem:$0x3FAF]  }
0x2b: {  	s6 =	sld [smem:$0x3FB0]  }
0x2c: {  	s7 =	sld [smem:$0x3FB1]  }
0x2d: {  	s3 =	simm.s32 $0x108;
	s8 =	sld [smem:$0x3FB2]  }
0x2e: {  	s3 =	simm.s32 @!p0 $0x1082;
	s9 =	sld [smem:$0x3FB3]  }
0x2f: {  	lr =	sadd.s32 s0, s3;
	s0 =	sld [smem:$0x3FAA]  }
0x30: {  	s3 =	sld [smem:$0x3FAD]  }
0x31: {  	[smem:$0x3FB6] =	sst s10  }
0x32: {  	s10 =	sld [smem:$0x3FB4];
	_ =	sdelay $0x3  }
0x33: {  	p0 =	seq.s32 s10, $0x1;
	s10 =	sld [smem:$0x3FB6];
	_ =	sdelay $0x3  }
0x34: {  	[smem:$0x3FB6] =	sst s10  }
0x35: {  	s10 =	sld [smem:$0x3FB5];
	_ =	sdelay $0x3  }
0x36: {  	p1 =	seq.s32 s10, $0x1;
	s10 =	sld [smem:$0x3FB6];
	_ =	sdelay $0x3  }
0x37: {  	[smem:$0x3FB6] =	sst s10  }
0x38: {  	s10 =	sld [smem:$0x3FB7]  }
0x39: {  	_ = 	snop;
	(pc) =	sbr.ind lr, $3  }
0x3a: {  	_ = 	snop  }
0x3b: {  	_ = 	snop  }
0x3c: {  	p2 =	seq.s32 s10, $0x1;
	s10 =	sld [smem:$0x3FB6]  }
0x3d: {  	_ =	shalt  }
0x3e: {  	_ =	shalt  }
0x3f: {  	_ =	shalt  }
0x40: {  	_ =	shalt  }
0x41: {  	_ =	shalt  }
0x42: {  	_ =	shalt  }
0x43: {  	_ =	shalt  }
0x44: {  	_ =	shalt  }
0x45: {  	_ =	shalt  }
0x46: {  	_ =	shalt  }
0x47: {  	_ =	shalt  }
0x48: {  	_ =	shalt  }
0x49: {  	_ =	shalt  }
0x4a: {  	_ =	shalt  }
0x4b: {  	_ =	shalt  }
0x4c: {  	_ =	shalt  }
0x4d: {  	_ =	shalt  }
0x4e: {  	_ =	shalt  }
0x4f: {  	_ =	shalt  }
0x50: {  	_ =	shalt  }
0x51: {  	_ =	shalt  }
0x52: {  	_ =	shalt  }
0x53: {  	_ =	shalt  }
0x54: {  	_ =	shalt  }
0x55: {  	_ =	shalt  }
0x56: {  	_ =	shalt  }
0x57: {  	_ =	shalt  }
0x58: {  	_ =	shalt  }
0x59: {  	_ =	shalt  }
0x5a: {  	_ =	shalt  }
0x5b: {  	_ =	shalt  }
0x5c: {  	_ =	shalt  }
0x5d: {  	_ =	shalt  }
0x5e: {  	_ =	shalt  }
0x5f: {  	_ =	shalt  }
0x60: {  	_ =	shalt  }
0x61: {  	_ =	shalt  }
0x62: {  	_ =	shalt  }
0x63: {  	_ =	shalt  }
0x64: {  	_ =	shalt  }
0x65: {  	_ =	shalt  }
0x66: {  	_ =	shalt  }
0x67: {  	_ =	shalt  }
0x68: {  	_ =	shalt  }
0x69: {  	_ =	shalt  }
0x6a: {  	_ =	shalt  }
0x6b: {  	_ =	shalt  }
0x6c: {  	_ =	shalt  }
0x6d: {  	_ =	shalt  }
0x6e: {  	_ =	shalt  }
0x6f: {  	_ =	shalt  }
0x70: {  	_ =	shalt  }
0x71: {  	_ =	shalt  }
0x72: {  	_ =	shalt  }
0x73: {  	_ =	shalt  }
0x74: {  	_ =	shalt  }
0x75: {  	_ =	shalt  }
0x76: {  	_ =	shalt  }
0x77: {  	_ =	shalt  }
0x78: {  	_ =	shalt  }
0x79: {  	_ =	shalt  }
0x7a: {  	_ =	shalt  }
0x7b: {  	_ =	shalt  }
0x7c: {  	_ =	shalt  }
0x7d: {  	_ =	shalt  }
0x7e: {  	_ =	shalt  }
0x7f: {  	_ =	shalt  }
0x80: {  	_ =	shalt  }
0x81: {  	_ =	shalt  }
0x82: {  	_ =	shalt  }
0x83: {  	_ =	shalt  }
0x84: {  	_ =	shalt  }
0x85: {  	_ =	shalt  }
0x86: {  	_ =	shalt  }
0x87: {  	_ =	shalt  }
.Lfunc_end0:
.L_simem_size_0:
called_computation_lowered:
.L_overlay_start_0:
0x88: {  	s2 =	sld [smem:$0x3FD9]  }
0x89: {  	s3 =	sld [smem:$0x3FFE];
	_ =	sdelay $0x1  }
0x8a: {  	s1 =	srdreg.scid  }
0x8b: {  	s0 =	sand.u32 $0x1, s1  }
0x8c: {  	s16 =	sshll.u32 s0, $0xA;
	s2 =	sadd.s32 s3, s2  }
0x8d: {  	s2 =	sadd.s32 s2, s16  }
0x8e: {  	[smem:$0x3FC2] =	sst s2  }
0x8f: {  	_ = 	snop  }
0x90: {  	(tm) =	ssettm $0x1  }
0x91: {  	s17 =	sld [smem:$0x3FFB];
	_ =	sdelay $0x3  }
0x92: {  	_ =	strace s17  }
0x93: {  	s2 =	sld [smem:$0x3FFC];
	_ =	sdelay $0x3  }
0x94: {  	_ =	strace s2  }
0x95: {  	s2 =	sld [smem:$0x3FFD];
	_ =	sdelay $0x3  }
0x96: {  	_ =	strace s2  }
0x97: {  	_ =	strace $0x8FFFFFFF  }
0x98: {  	s18 =	sld [smem:$0x3FDB];
	_ =	sdelay $0x1  }
0x99: {  	s19 =	simm.s32 $_scs_section_size  }
0x9a: {  	s4 =	simm.s32 $_size__tile_overlayer_lowered;
	s5 =	simm.s32 $_tile_overlayer_lowered  }
0x9b: {  	s22 =	simm.s32 $0x1BFF;
	s21 =	sshll.u32 s5, $0x1;
	s2 =	sadd.s32 s19, s18  }
0x9c: {  	s6 =	simm.s32 $0x0;
	s20 =	sshll.u32 s4, $0x1;
	s4 =	sadd.s32 s21, s2  }
0x9d: {  	[timem:s6], [sflag:s22] =	dma.local [hbm:s4], s20  }
0x9e: {  	_ =	swait.ge [sflag:s22], s20  }
0x9f: {  	s3 =	ssub.s32 $0x0, s20;
	[sflag:s22] =	ssyncset.done $0x0  }
0xa0: {  	[sflag:s22] =	ssyncadd.s32 s3;
	_ =	sdelay $0x1  }
0xa1: {  	s23 =	simm.s32 $0x1B8B  }
0xa2: {  	_ =	swait.ge [sflag:s23], $0x1  }
0xa3: {  	[sflag:s23] =	ssyncset.done $0x0  }
0xa4: {  	s25 =	simm.s32 $0x1B8E;
	s24 =	sld [smem:$0x3FFE];
	[sflag:s23] =	ssyncadd.s32 $0xFFFFFFFF  }
0xa5: {  	s26 =	simm.s32 $execute0_lowered;
	[smem:$0x3FD2] =	sst s25  }
0xa6: {  	s4 =	sshll.u32 s26, $0x1;
	_ =	strace $0x80000046;
	[dreg:$0x1] =	wrdreg $0xFFFFFFFF  }
0xa7: {  	s28 =	simm.s32 $_size_execute0_lowered;
	s2 =	sadd.s32 s2, s4;
	[dreg:$0x0] =	wrdreg $0x0  }
0xa8: {  	s4 =	sshll.u32 s28, $0x1;
	[dreg:$0x2] =	wrdreg s2  }
0xa9: {  	[dreg:$0x3] =	wrdreg s4  }
0xaa: {  	[dreg:$0x4] =	wrdreg $0xC0  }
0xab: {  	_ =	task [dreg:s6], $0x5FFFF  }
0xac: {  	[dreg:$0x1] =	wrdreg $0xFFFFFFFF  }
0xad: {  	[dreg:$0x0] =	wrdreg $0x60  }
0xae: {  	[dreg:$0x2] =	wrdreg s24  }
0xaf: {  	[dreg:$0x3] =	wrdreg $0x9  }
0xb0: {  	_ =	task.clear_ibuf [dreg:s6], $0x4FFFF;
	_ =	strace $0x90000046  }
0xb1: {  	s29 =	simm.s32 $0x9;
	_ =	strace $0x80000048  }
0xb2: {  	_ =	swait.ge [sflag:s29], $0x1  }
0xb3: {  	[sflag:s29] =	ssyncadd.s32 $0xFFFFFFFF  }
0xb4: {  	_ =	strace $0x90000048  }
0xb5: {  	_ =	sfence  }
0xb6: {  	s30 =	sld [smem:$0x0];
	_ =	sdelay $0x2  }
0xb7: {  	s31 =	sshll.u32 s1, $0xD;
	s1 =	sshrl.u32 s1, $0x2  }
0xb8: {  	s3 =	sand.u32 $0x4000, s31;
	s1 =	sadd.s32 s1, s30  }
0xb9: {  	s0 =	sor.u32 s3, s0;
	s1 =	sshll.u32 s1, $0x11  }
0xba: {  	s0 =	sor.u32 s1, s0  }
0xbb: {  	s0 =	sadd.s32 $0x8F2B, s0  }
0xbc: {  	[sflag:s0] =	ssyncadd.remote.s32 $0x1  }
0xbd: {  	_ =	sfence.sel $0xFFFF  }
0xbe: {  	[dreg:$0x0] =	wrdreg $0xFFFFFFFF;
	(pc) =	sbr.abs _section_cstart, $3  }
0xbf: {  	[dreg:$0x1] =	wrdreg $0xFFFFFFFF  }
0xc0: {  	_ =	task.clear_ibuf [dreg:s6], $0x2FFFF;
	_ =	strace $0x9FFFFFFF  }
0xc1: {  	(tm) =	ssettm $0x7FFFFFFF  }
tec
execute0_lowered:
.L_overlay_start_1:
0x0: {  	(tag) =	ssettag $0x1  }
0x1: {  	s0 =	srdreg.scid  }
0x2: {  	s3 =	sand.u32 $0x1, s0  }
0x3: {  	s0 =	stileid.u32;
	s1 =	sshll.u32 s3, $0x4  }
0x4: {  	s5 =	rddreg [dreg:$0x0];
	s2 =	simm.s32 $0x0;
	s1 =	sor.u32 s0, s1  }
0x5: {  	s7 =	simm.s32 $0x400;
	s8 =	simm.s32 $0x1;
	s1 =	sshrl.u32 s1, $0x3  }
0x6: {  	s9 =	simm.s32 $0x2800;
	s30 =	sshll.u32 s0, $0x7;
	s4 =	smul.u32 $0x14000, s1  }
0x7: {  	s10 =	simm.s32 $0x0;
	s3 =	ssub.s32 $0x2, s3;
	s6 =	sand.u32 $0x380, s30  }
0x8: {  	[smem:$0x7FF] =	sst s2;
	s31 =	sshrl.u32 s3, $0x1;
	s4 =	sor.u32 s6, s4  }
0x9: {  	s1 =	rddreg [dreg:$0x1];
	_ =	strace $0x80000047;
	s4 =	sshrl.u32 s4, $0x3  }
0xa: {  	s6 =	simm.s32 $0x80;
	s4 =	sadd.s32 s4, s5;
	s5 =	ssub.s32 s3, s31  }
0xb: {  	v0 =	vimm.f32 $0.0e+00;
	v1 =	vimm.f32 $1.000000000e+00;
	s3 =	sadd.s32 $0xCC00, s4;
	s4 =	sadd.s32 $0x16C00, s4;
	s5 =	smax.u32 s5, $0x1  }
.LBB2_1:
0xc: {  	[tilespmem:s2], [sflag:$0x1] =	stream.strided.gather [hbm4b:s3+s6], $0x2800, s7, s6, $0x38;
	[tilespmem:$0x5000] =	vst v63  }
0xd: {  	_ =	swait.ge [sflag:s8], $0x2800  }
0xe: {  	[sflag:s8] =	ssyncset.done $0x0  }
0xf: {  	s11 =	simm.s32 $0x0;
	[sflag:s8] =	ssyncadd.s32 $0xFFFFD800  }
.LBB2_2:
0x10: {  	p0 =	sne.s32 s11, $0x9FC0  }
.Ltmp0:
0x11: {  	_ = 	snop;
	(pc) =	sbr.rel @p0 .LBB2_2-.Ltmp0, $3  }
0x12: {  	_ =	sdelay $0x1  }
0x13: {  	s12 =	sshra.s32 s11, $0x2  }
0x14: {  	s11 =	sadd.s32 $0x40, s11;
	[tilespmem:s12+$0x2800] =	vst v0  }
0x15: {  	s12 =	simm.s32 $0x0;
	s11 =	simm.s32 $0x40  }
.LBB2_4:
0x16: {  	p0 =	sne.s32 s11, $0x9FC0;
	v2 =	vld [tilespmem:s12+$0x0];
	_ =	sdelay $0x3  }
.Ltmp1:
0x17: {  	(pc) =	sbr.rel @p0 .LBB2_4-.Ltmp1, $2  }
0x18: {  	_ =	sdelay $0x2  }
0x19: {  	s12 =	sshra.s32 s11, $0x2;
	s11 =	sadd.s32 $0x40, s11;
	[tilespmem:v2+s9+$0x0] =	vst.idx.add.f32.msk $0xffff, v1  }
0x1a: {  	v2 =	vld [tilespmem:s12+$0x0];
	_ =	sdelay $0x5  }
0x1b: {  	s10 =	sadd.s32 $0x1, s10  }
0x1c: {  	p0 =	sne.s32 s10, s5  }
.Ltmp2:
0x1d: {  	[tilespmem:v2+s9+$0x0] =	vst.idx.add.f32.msk $0xffff, v1;
	(pc) =	sbr.rel @p0 .LBB2_1-.Ltmp2, $4  }
0x1e: {  	[hbm4b:s4+s6] =	stream.strided.scatter [tilespmem:s9], [sflag:$0x1], $0x2800, s7, s6, $0x38;
	[tilespmem:$0x5000] =	vst v63  }
0x1f: {  	_ =	swait.ge [sflag:s8], $0x2800  }
0x20: {  	[sflag:s8] =	ssyncset.done $0x0  }
0x21: {  	[sflag:s8] =	ssyncadd.s32 $0xFFFFD800  }
0x22: {  	_ =	sfence.sel $0x180000  }
0x23: {  	[bflag:$0x0] =	sbarrier.arrive $0xFFFF  }
0x24: {  	p0 =	sne.s32 s0, $0x0;
	_ =	strace $0x90000047  }
0x25: {  	s0 =	sadd.s32 @!p0 $0x100000, s1;
	[bflag:$0x2] =	sbarrier.arrive $0xFFFF  }
0x26: {  	[sflag:s0] =	ssyncadd.tile.s32 @!p0 $0x1;
	_ =	shalt  }
.Lfunc_end2:
_tile_overlayer_lowered:
.L_overlay_start_2:
0x27: {  	(tag) =	ssettag $0x2  }
0x28: {  	s0 =	rddreg [dreg:$0x0];
	s2 =	stileid.u32  }
0x29: {  	s1 =	rddreg [dreg:$0x1];
	p0 =	sne.s32 s2, $0x0  }
0x2a: {  	s3 =	rddreg [dreg:$0x2];
	[bflag:$0x3] =	sbarrier.arrive $0xFFFF;
	s2 =	simm.s32 @!p0 $0x1C01  }
0x2b: {  	[timem:s3], [sflag:s2] =	dma.local @!p0 [hbm:s0], s1  }
0x2c: {  	s0 =	simm.s32 @!p0 $0x1  }
0x2d: {  	_ =	swait.ge @!p0 [sflag:s0], s1  }
0x2e: {  	s1 =	ssub.s32 @!p0 $0x0, s1;
	[sflag:s0] =	ssyncset.done @!p0 $0x0  }
0x2f: {  	[sflag:s0] =	ssyncadd.s32 @!p0 s1  }
0x30: {  	[bflag:$0x3] =	sbarrier.arrive $0xFFFF  }
0x31: {  	_ =	shalt  }

</sc_bundles>
